<compile_context>
chip_gen: v7x
topology: tpu7x:2x2x1
jax: 0.10.2.dev20260603
libtpu: 0.0.44.dev20260713+nightly
codegen_flags: <defaults>
</compile_context>

<pallas_src>
import functools

import jax
import jax.numpy as jnp
from jax import lax
from jax.experimental import pallas as pl
from jax.experimental.pallas import tpu as pltpu
from jax.experimental.pallas import tpu_sc as plsc

D_MODEL_K = 768
N_EXP = 64
BLK = 4096

SC_NC = 2
SC_NS = 16
SC_L = 16
SC_NW = SC_NC * SC_NS


def _matmul_body(x_ref, w_ref, logits_ref):
    logits_ref[...] = jax.lax.dot_general(
        x_ref[...], w_ref[...], (((1,), (1,)), ((), ())),
        preferred_element_type=jnp.float32,
    )


def _tc_logits(x_flat, W_gate):
    n_rows, d_model = x_flat.shape
    return pl.pallas_call(
        _matmul_body,
        grid=(n_rows // BLK,),
        in_specs=[
            pl.BlockSpec((BLK, d_model), lambda i: (i, 0)),
            pl.BlockSpec((N_EXP, d_model), lambda i: (0, 0)),
        ],
        out_specs=pl.BlockSpec((BLK, N_EXP), lambda i: (i, 0)),
        out_shape=jax.ShapeDtypeStruct((n_rows, N_EXP), jnp.float32),
        compiler_params=pltpu.CompilerParams(
            dimension_semantics=("parallel",),
        ),
    )(x_flat, W_gate)


def _make_sc_topk(n_rows):
    rpw = n_rows // SC_NW
    n_groups = rpw // SC_L
    mesh = plsc.VectorSubcoreMesh(core_axis_name="c", subcore_axis_name="s")

    @functools.partial(
        pl.kernel,
        mesh=mesh,
        out_type=[
            jax.ShapeDtypeStruct((n_rows, 2), jnp.float32),
            jax.ShapeDtypeStruct((n_rows, 2), jnp.int32),
        ],
        scratch_types=[
            pltpu.VMEM((rpw, N_EXP), jnp.float32),
            pltpu.VMEM((rpw, 2), jnp.float32),
            pltpu.VMEM((rpw, 2), jnp.int32),
        ],
        compiler_params=pltpu.CompilerParams(
            needs_layout_passes=False,
            skip_device_barrier=True,
            use_tc_tiling_on_sc=False,
        ),
    )
    def sc_topk(logits_hbm, wts_hbm, idx_hbm, lg_v, wts_v, idx_v):
        wid = lax.axis_index("s") * SC_NC + lax.axis_index("c")
        base = wid * rpw
        pltpu.sync_copy(logits_hbm.at[pl.ds(base, rpw)], lg_v)

        zeros16 = jnp.zeros((SC_L,), jnp.int32)
        neg_big = jnp.full((SC_L,), -3e38, jnp.float32)
        n_chains = 4
        per_chain = N_EXP // n_chains

        @plsc.parallel_loop(0, n_groups, unroll=2)
        def group_body(g):
            rows = g * SC_L + lax.iota(jnp.int32, SC_L)

            chains = []
            for c in range(n_chains):
                m1, i1, m2, i2 = neg_big, zeros16, neg_big, zeros16
                for j in range(per_chain):
                    e = c * per_chain + j
                    col = (lax.iota(jnp.int32, SC_L) + e) & (N_EXP - 1)
                    v = plsc.load_gather(lg_v, [rows, col])
                    gt1 = v > m1
                    c2 = v > m2
                    m2 = jnp.maximum(m2, jnp.minimum(v, m1))
                    i2 = jnp.where(gt1, i1, jnp.where(c2, col, i2))
                    m1 = jnp.maximum(m1, v)
                    i1 = jnp.where(gt1, col, i1)
                chains.append((m1, i1, m2, i2))

            def merge(a, b):
                m1a, i1a, m2a, i2a = a
                m1b, i1b, m2b, i2b = b
                awin = m1a >= m1b
                m1 = jnp.maximum(m1a, m1b)
                i1 = jnp.where(awin, i1a, i1b)
                m2 = jnp.where(awin, jnp.maximum(m2a, m1b),
                               jnp.maximum(m1a, m2b))
                i2 = jnp.where(awin,
                               jnp.where(m2a >= m1b, i2a, i1b),
                               jnp.where(m1a >= m2b, i1a, i2b))
                return (m1, i1, m2, i2)

            top = merge(merge(chains[0], chains[1]),
                        merge(chains[2], chains[3]))
            m1, i1, m2, i2 = top
            w1 = 1.0 / (1.0 + jnp.exp(m2 - m1))
            plsc.store_scatter(wts_v, [rows, zeros16], w1)
            plsc.store_scatter(wts_v, [rows, zeros16 + 1], 1.0 - w1)
            plsc.store_scatter(idx_v, [rows, zeros16], i1)
            plsc.store_scatter(idx_v, [rows, zeros16 + 1], i2)
        pltpu.sync_copy(wts_v, wts_hbm.at[pl.ds(base, rpw)])
        pltpu.sync_copy(idx_v, idx_hbm.at[pl.ds(base, rpw)])

    return sc_topk


@jax.jit
def kernel(x, W_gate):
    batch, seq_len, d_model = x.shape
    n_rows = batch * seq_len
    x_flat = x.reshape(n_rows, d_model)
    logits = _tc_logits(x_flat, W_gate)
    wts, idx = _make_sc_topk(n_rows)(logits)
    return (wts, idx, logits)

# --- scband reference (transcript-rebuilt; emitter-appended) ---
"""Pipeline reference for scband-top-krouter-33852932227538 (READ-ONLY COPY).

The authoritative reference and input builder live on the scoring server;
editing this copy changes nothing except your own understanding.
"""

import jax, jax.numpy as jnp
import numpy as np

D_MODEL = 768
NUM_EXPERTS = 64
TOP_K = 2


def setup_inputs(seed: int = 0) -> dict:
    key = jax.random.key(seed)
    kx, kw = jax.random.split(key)
    x = jax.random.normal(kx, (4, 8192, D_MODEL), dtype=jnp.float32)
    # nn.Linear weight: (num_experts, d_model), kaiming-uniform-ish init
    bound = 1.0 / np.sqrt(D_MODEL)
    W_gate = jax.random.uniform(kw, (NUM_EXPERTS, D_MODEL), dtype=jnp.float32, minval=-bound, maxval=bound)
    return {"x": x, "W_gate": W_gate}


def reference(x, W_gate):
    batch, seq_len, d_model = x.shape
    x_flat = x.reshape(-1, d_model)
    router_logits = x_flat @ W_gate.T
    router_probs = jax.nn.softmax(router_logits, axis=-1)
    top_k_probs, top_k_indices = jax.lax.top_k(router_probs, TOP_K)
    top_k_weights = top_k_probs / (jnp.sum(top_k_probs, axis=-1, keepdims=True) + 1e-10)
    return (top_k_weights, top_k_indices, router_logits)

if __name__ == "__main__":
    import jax
    _d = setup_inputs()
    print(jax.jit(kernel)(*tuple(_d.values())))

</pallas_src>

<mosaic_0001>
#map = affine_map<(d0, d1) -> (0, 0)>
module attributes {stable_mosaic.version = 14 : i64} {
  func.func @sc_topk(%arg0: i32, %arg1: i32, %arg2: memref<32768x64xf32, #tpu.memory_space<hbm>>, %arg3: memref<32768x2xf32, #tpu.memory_space<hbm>>, %arg4: memref<32768x2xi32, #tpu.memory_space<hbm>>, %arg5: memref<1024x64xf32, #tpu.memory_space<vmem>>, %arg6: memref<1024x2xf32, #tpu.memory_space<vmem>>, %arg7: memref<1024x2xi32, #tpu.memory_space<vmem>>) attributes {dimension_semantics = [#tpu.dimension_semantics<core_parallel>, #tpu.dimension_semantics<subcore_parallel>], iteration_bounds = array<i64: 2, 16>, scalar_prefetch = 0 : i64, scratch_operands = 3 : i64, tpu.core_type = #tpu.core_type<sc_vector_subcore>, window_params = [{transform_indices = #map}, {transform_indices = #map}, {transform_indices = #map}]} {
    %mul3A = arith.constant 2 : i32
    %mul3A_0 = arith.muli %arg1, %mul3A : i32
    %add3A = arith.addi %mul3A_0, %arg0 : i32
    %mul3A_1 = arith.constant 1024 : i32
    %mul3A_2 = arith.muli %add3A, %mul3A_1 : i32
    "tpu.region"() ({
      %run_scoped3A = tpu.sem_alloc : memref<!tpu.dma_semaphore, #tpu.memory_space<semaphore_mem>>
      %dma_start3A = arith.constant 0 : i32
      %dma_start3A_8 = tpu.memref_slice %arg2[%mul3A_2, %dma_start3A] : memref<32768x64xf32, #tpu.memory_space<hbm>> -> memref<1024x64xf32, #tpu.memory_space<hbm>>
      %dma_start3A_9 = arith.constant 0 : i32
      %dma_start3A_10 = tpu.memref_slice %arg2[%mul3A_2, %dma_start3A_9] : memref<32768x64xf32, #tpu.memory_space<hbm>> -> memref<1024x64xf32, #tpu.memory_space<hbm>>
      tpu.enqueue_dma source(%dma_start3A_10 : memref<1024x64xf32, #tpu.memory_space<hbm>>) target(%arg5 : memref<1024x64xf32, #tpu.memory_space<vmem>>) target_semaphore(%run_scoped3A : memref<!tpu.dma_semaphore, #tpu.memory_space<semaphore_mem>>)
      %dma_wait3A = arith.constant 0 : i32
      %dma_wait3A_11 = tpu.memref_slice %arg2[%mul3A_2, %dma_wait3A] : memref<32768x64xf32, #tpu.memory_space<hbm>> -> memref<1024x64xf32, #tpu.memory_space<hbm>>
      %dma_wait3A_12 = arith.constant 0 : i32
      %dma_wait3A_13 = tpu.memref_slice %arg2[%mul3A_2, %dma_wait3A_12] : memref<32768x64xf32, #tpu.memory_space<hbm>> -> memref<1024x64xf32, #tpu.memory_space<hbm>>
      tpu.wait_dma2 semaphore(%run_scoped3A : memref<!tpu.dma_semaphore, #tpu.memory_space<semaphore_mem>>) src(%dma_wait3A_13 : memref<1024x64xf32, #tpu.memory_space<hbm>>) dst(%arg5 : memref<1024x64xf32, #tpu.memory_space<vmem>>)
      tpu.yield
    }) : () -> ()
    %broadcast_in_dim3A = arith.constant 0 : i32
    %broadcast_in_dim3A_3 = vector.broadcast %broadcast_in_dim3A : i32 to vector<16xi32>
    %broadcast_in_dim3A_4 = arith.constant -3.000000e+38 : f32
    %broadcast_in_dim3A_5 = vector.broadcast %broadcast_in_dim3A_4 : f32 to vector<16xf32>
    %parallel_loop3A = arith.constant 0 : i32
    %parallel_loop3A_6 = arith.constant 64 : i32
    %parallel_loop3A_7 = arith.constant 1 : i32
    scf.for %parallel_loop3A_8 = %parallel_loop3A to %parallel_loop3A_6 step %parallel_loop3A_7  : i32 {
      %parallel_loop3A_9 = arith.constant 16 : i32
      %parallel_loop3A_10 = arith.muli %parallel_loop3A_8, %parallel_loop3A_9 : i32
      %parallel_loop3A_11 = tpu.iota {dimensions = array<i32: 0>} : vector<16xi32>
      %parallel_loop3A_12 = vector.broadcast %parallel_loop3A_10 : i32 to vector<16xi32>
      %parallel_loop3A_13 = arith.addi %parallel_loop3A_12, %parallel_loop3A_11 : vector<16xi32>
      %parallel_loop3A_14 = tpu.iota {dimensions = array<i32: 0>} : vector<16xi32>
      %parallel_loop3A_15 = arith.constant 0 : i32
      %parallel_loop3A_16 = vector.broadcast %parallel_loop3A_15 : i32 to vector<16xi32>
      %parallel_loop3A_17 = arith.addi %parallel_loop3A_14, %parallel_loop3A_16 : vector<16xi32>
      %parallel_loop3A_18 = arith.constant 63 : i32
      %parallel_loop3A_19 = vector.broadcast %parallel_loop3A_18 : i32 to vector<16xi32>
      %parallel_loop3A_20 = arith.andi %parallel_loop3A_17, %parallel_loop3A_19 : vector<16xi32>
      %parallel_loop3A_21 = tpu.vector_load_idx %arg5[%parallel_loop3A_13, %parallel_loop3A_20] : memref<1024x64xf32, #tpu.memory_space<vmem>>[vector<16xi32>, vector<16xi32>], vector<16xf32>,
      %parallel_loop3A_22 = arith.cmpf ogt, %parallel_loop3A_21, %broadcast_in_dim3A_5 : vector<16xf32>
      %parallel_loop3A_23 = arith.cmpf ogt, %parallel_loop3A_21, %broadcast_in_dim3A_5 : vector<16xf32>
      %parallel_loop3A_24 = arith.minimumf %parallel_loop3A_21, %broadcast_in_dim3A_5 : vector<16xf32>
      %parallel_loop3A_25 = arith.maximumf %broadcast_in_dim3A_5, %parallel_loop3A_24 : vector<16xf32>
      %parallel_loop3A_26 = arith.select %parallel_loop3A_23, %parallel_loop3A_20, %broadcast_in_dim3A_3 : vector<16xi1>, vector<16xi32>
      %parallel_loop3A_27 = arith.select %parallel_loop3A_22, %broadcast_in_dim3A_3, %parallel_loop3A_26 : vector<16xi1>, vector<16xi32>
      %parallel_loop3A_28 = arith.maximumf %broadcast_in_dim3A_5, %parallel_loop3A_21 : vector<16xf32>
      %parallel_loop3A_29 = arith.select %parallel_loop3A_22, %parallel_loop3A_20, %broadcast_in_dim3A_3 : vector<16xi1>, vector<16xi32>
      %parallel_loop3A_30 = tpu.iota {dimensions = array<i32: 0>} : vector<16xi32>
      %parallel_loop3A_31 = arith.constant 1 : i32
      %parallel_loop3A_32 = vector.broadcast %parallel_loop3A_31 : i32 to vector<16xi32>
      %parallel_loop3A_33 = arith.addi %parallel_loop3A_30, %parallel_loop3A_32 : vector<16xi32>
      %parallel_loop3A_34 = arith.constant 63 : i32
      %parallel_loop3A_35 = vector.broadcast %parallel_loop3A_34 : i32 to vector<16xi32>
      %parallel_loop3A_36 = arith.andi %parallel_loop3A_33, %parallel_loop3A_35 : vector<16xi32>
      %parallel_loop3A_37 = tpu.vector_load_idx %arg5[%parallel_loop3A_13, %parallel_loop3A_36] : memref<1024x64xf32, #tpu.memory_space<vmem>>[vector<16xi32>, vector<16xi32>], vector<16xf32>,
      %parallel_loop3A_38 = arith.cmpf ogt, %parallel_loop3A_37, %parallel_loop3A_28 : vector<16xf32>
      %parallel_loop3A_39 = arith.cmpf ogt, %parallel_loop3A_37, %parallel_loop3A_25 : vector<16xf32>
      %parallel_loop3A_40 = arith.minimumf %parallel_loop3A_37, %parallel_loop3A_28 : vector<16xf32>
      %parallel_loop3A_41 = arith.maximumf %parallel_loop3A_25, %parallel_loop3A_40 : vector<16xf32>
      %parallel_loop3A_42 = arith.select %parallel_loop3A_39, %parallel_loop3A_36, %parallel_loop3A_27 : vector<16xi1>, vector<16xi32>
      %parallel_loop3A_43 = arith.select %parallel_loop3A_38, %parallel_loop3A_29, %parallel_loop3A_42 : vector<16xi1>, vector<16xi32>
      %parallel_loop3A_44 = arith.maximumf %parallel_loop3A_28, %parallel_loop3A_37 : vector<16xf32>
      %parallel_loop3A_45 = arith.select %parallel_loop3A_38, %parallel_loop3A_36, %parallel_loop3A_29 : vector<16xi1>, vector<16xi32>
      %parallel_loop3A_46 = tpu.iota {dimensions = array<i32: 0>} : vector<16xi32>
      %parallel_loop3A_47 = arith.constant 2 : i32
      %parallel_loop3A_48 = vector.broadcast %parallel_loop3A_47 : i32 to vector<16xi32>
      %parallel_loop3A_49 = arith.addi %parallel_loop3A_46, %parallel_loop3A_48 : vector<16xi32>
      %parallel_loop3A_50 = arith.constant 63 : i32
      %parallel_loop3A_51 = vector.broadcast %parallel_loop3A_50 : i32 to vector<16xi32>
      %parallel_loop3A_52 = arith.andi %parallel_loop3A_49, %parallel_loop3A_51 : vector<16xi32>
      %parallel_loop3A_53 = tpu.vector_load_idx %arg5[%parallel_loop3A_13, %parallel_loop3A_52] : memref<1024x64xf32, #tpu.memory_space<vmem>>[vector<16xi32>, vector<16xi32>], vector<16xf32>,
      %parallel_loop3A_54 = arith.cmpf ogt, %parallel_loop3A_53, %parallel_loop3A_44 : vector<16xf32>
      %parallel_loop3A_55 = arith.cmpf ogt, %parallel_loop3A_53, %parallel_loop3A_41 : vector<16xf32>
      %parallel_loop3A_56 = arith.minimumf %parallel_loop3A_53, %parallel_loop3A_44 : vector<16xf32>
      %parallel_loop3A_57 = arith.maximumf %parallel_loop3A_41, %parallel_loop3A_56 : vector<16xf32>
      %parallel_loop3A_58 = arith.select %parallel_loop3A_55, %parallel_loop3A_52, %parallel_loop3A_43 : vector<16xi1>, vector<16xi32>
      %parallel_loop3A_59 = arith.select %parallel_loop3A_54, %parallel_loop3A_45, %parallel_loop3A_58 : vector<16xi1>, vector<16xi32>
      %parallel_loop3A_60 = arith.maximumf %parallel_loop3A_44, %parallel_loop3A_53 : vector<16xf32>
      %parallel_loop3A_61 = arith.select %parallel_loop3A_54, %parallel_loop3A_52, %parallel_loop3A_45 : vector<16xi1>, vector<16xi32>
      %parallel_loop3A_62 = tpu.iota {dimensions = array<i32: 0>} : vector<16xi32>
      %parallel_loop3A_63 = arith.constant 3 : i32
      %parallel_loop3A_64 = vector.broadcast %parallel_loop3A_63 : i32 to vector<16xi32>
      %parallel_loop3A_65 = arith.addi %parallel_loop3A_62, %parallel_loop3A_64 : vector<16xi32>
      %parallel_loop3A_66 = arith.constant 63 : i32
      %parallel_loop3A_67 = vector.broadcast %parallel_loop3A_66 : i32 to vector<16xi32>
      %parallel_loop3A_68 = arith.andi %parallel_loop3A_65, %parallel_loop3A_67 : vector<16xi32>
      %parallel_loop3A_69 = tpu.vector_load_idx %arg5[%parallel_loop3A_13, %parallel_loop3A_68] : memref<1024x64xf32, #tpu.memory_space<vmem>>[vector<16xi32>, vector<16xi32>], vector<16xf32>,
      %parallel_loop3A_70 = arith.cmpf ogt, %parallel_loop3A_69, %parallel_loop3A_60 : vector<16xf32>
      %parallel_loop3A_71 = arith.cmpf ogt, %parallel_loop3A_69, %parallel_loop3A_57 : vector<16xf32>
      %parallel_loop3A_72 = arith.minimumf %parallel_loop3A_69, %parallel_loop3A_60 : vector<16xf32>
      %parallel_loop3A_73 = arith.maximumf %parallel_loop3A_57, %parallel_loop3A_72 : vector<16xf32>
      %parallel_loop3A_74 = arith.select %parallel_loop3A_71, %parallel_loop3A_68, %parallel_loop3A_59 : vector<16xi1>, vector<16xi32>
      %parallel_loop3A_75 = arith.select %parallel_loop3A_70, %parallel_loop3A_61, %parallel_loop3A_74 : vector<16xi1>, vector<16xi32>
      %parallel_loop3A_76 = arith.maximumf %parallel_loop3A_60, %parallel_loop3A_69 : vector<16xf32>
      %parallel_loop3A_77 = arith.select %parallel_loop3A_70, %parallel_loop3A_68, %parallel_loop3A_61 : vector<16xi1>, vector<16xi32>
      %parallel_loop3A_78 = tpu.iota {dimensions = array<i32: 0>} : vector<16xi32>
      %parallel_loop3A_79 = arith.constant 4 : i32
      %parallel_loop3A_80 = vector.broadcast %parallel_loop3A_79 : i32 to vector<16xi32>
      %parallel_loop3A_81 = arith.addi %parallel_loop3A_78, %parallel_loop3A_80 : vector<16xi32>
      %parallel_loop3A_82 = arith.constant 63 : i32
      %parallel_loop3A_83 = vector.broadcast %parallel_loop3A_82 : i32 to vector<16xi32>
      %parallel_loop3A_84 = arith.andi %parallel_loop3A_81, %parallel_loop3A_83 : vector<16xi32>
      %parallel_loop3A_85 = tpu.vector_load_idx %arg5[%parallel_loop3A_13, %parallel_loop3A_84] : memref<1024x64xf32, #tpu.memory_space<vmem>>[vector<16xi32>, vector<16xi32>], vector<16xf32>,
      %parallel_loop3A_86 = arith.cmpf ogt, %parallel_loop3A_85, %parallel_loop3A_76 : vector<16xf32>
      %parallel_loop3A_87 = arith.cmpf ogt, %parallel_loop3A_85, %parallel_loop3A_73 : vector<16xf32>
      %parallel_loop3A_88 = arith.minimumf %parallel_loop3A_85, %parallel_loop3A_76 : vector<16xf32>
      %parallel_loop3A_89 = arith.maximumf %parallel_loop3A_73, %parallel_loop3A_88 : vector<16xf32>
      %parallel_loop3A_90 = arith.select %parallel_loop3A_87, %parallel_loop3A_84, %parallel_loop3A_75 : vector<16xi1>, vector<16xi32>
      %parallel_loop3A_91 = arith.select %parallel_loop3A_86, %parallel_loop3A_77, %parallel_loop3A_90 : vector<16xi1>, vector<16xi32>
      %parallel_loop3A_92 = arith.maximumf %parallel_loop3A_76, %parallel_loop3A_85 : vector<16xf32>
      %parallel_loop3A_93 = arith.select %parallel_loop3A_86, %parallel_loop3A_84, %parallel_loop3A_77 : vector<16xi1>, vector<16xi32>
      %parallel_loop3A_94 = tpu.iota {dimensions = array<i32: 0>} : vector<16xi32>
      %parallel_loop3A_95 = arith.constant 5 : i32
      %parallel_loop3A_96 = vector.broadcast %parallel_loop3A_95 : i32 to vector<16xi32>
      %parallel_loop3A_97 = arith.addi %parallel_loop3A_94, %parallel_loop3A_96 : vector<16xi32>
      %parallel_loop3A_98 = arith.constant 63 : i32
      %parallel_loop3A_99 = vector.broadcast %parallel_loop3A_98 : i32 to vector<16xi32>
      %parallel_loop3A_100 = arith.andi %parallel_loop3A_97, %parallel_loop3A_99 : vector<16xi32>
      %parallel_loop3A_101 = tpu.vector_load_idx %arg5[%parallel_loop3A_13, %parallel_loop3A_100] : memref<1024x64xf32, #tpu.memory_space<vmem>>[vector<16xi32>, vector<16xi32>], vector<16xf32>,
      %parallel_loop3A_102 = arith.cmpf ogt, %parallel_loop3A_101, %parallel_loop3A_92 : vector<16xf32>
      %parallel_loop3A_103 = arith.cmpf ogt, %parallel_loop3A_101, %parallel_loop3A_89 : vector<16xf32>
      %parallel_loop3A_104 = arith.minimumf %parallel_loop3A_101, %parallel_loop3A_92 : vector<16xf32>
      %parallel_loop3A_105 = arith.maximumf %parallel_loop3A_89, %parallel_loop3A_104 : vector<16xf32>
      %parallel_loop3A_106 = arith.select %parallel_loop3A_103, %parallel_loop3A_100, %parallel_loop3A_91 : vector<16xi1>, vector<16xi32>
      %parallel_loop3A_107 = arith.select %parallel_loop3A_102, %parallel_loop3A_93, %parallel_loop3A_106 : vector<16xi1>, vector<16xi32>
      %parallel_loop3A_108 = arith.maximumf %parallel_loop3A_92, %parallel_loop3A_101 : vector<16xf32>
      %parallel_loop3A_109 = arith.select %parallel_loop3A_102, %parallel_loop3A_100, %parallel_loop3A_93 : vector<16xi1>, vector<16xi32>
      %parallel_loop3A_110 = tpu.iota {dimensions = array<i32: 0>} : vector<16xi32>
      %parallel_loop3A_111 = arith.constant 6 : i32
      %parallel_loop3A_112 = vector.broadcast %parallel_loop3A_111 : i32 to vector<16xi32>
      %parallel_loop3A_113 = arith.addi %parallel_loop3A_110, %parallel_loop3A_112 : vector<16xi32>
      %parallel_loop3A_114 = arith.constant 63 : i32
      %parallel_loop3A_115 = vector.broadcast %parallel_loop3A_114 : i32 to vector<16xi32>
      %parallel_loop3A_116 = arith.andi %parallel_loop3A_113, %parallel_loop3A_115 : vector<16xi32>
      %parallel_loop3A_117 = tpu.vector_load_idx %arg5[%parallel_loop3A_13, %parallel_loop3A_116] : memref<1024x64xf32, #tpu.memory_space<vmem>>[vector<16xi32>, vector<16xi32>], vector<16xf32>,
      %parallel_loop3A_118 = arith.cmpf ogt, %parallel_loop3A_117, %parallel_loop3A_108 : vector<16xf32>
      %parallel_loop3A_119 = arith.cmpf ogt, %parallel_loop3A_117, %parallel_loop3A_105 : vector<16xf32>
      %parallel_loop3A_120 = arith.minimumf %parallel_loop3A_117, %parallel_loop3A_108 : vector<16xf32>
      %parallel_loop3A_121 = arith.maximumf %parallel_loop3A_105, %parallel_loop3A_120 : vector<16xf32>
      %parallel_loop3A_122 = arith.select %parallel_loop3A_119, %parallel_loop3A_116, %parallel_loop3A_107 : vector<16xi1>, vector<16xi32>
      %parallel_loop3A_123 = arith.select %parallel_loop3A_118, %parallel_loop3A_109, %parallel_loop3A_122 : vector<16xi1>, vector<16xi32>
      %parallel_loop3A_124 = arith.maximumf %parallel_loop3A_108, %parallel_loop3A_117 : vector<16xf32>
      %parallel_loop3A_125 = arith.select %parallel_loop3A_118, %parallel_loop3A_116, %parallel_loop3A_109 : vector<16xi1>, vector<16xi32>
      %parallel_loop3A_126 = tpu.iota {dimensions = array<i32: 0>} : vector<16xi32>
      %parallel_loop3A_127 = arith.constant 7 : i32
      %parallel_loop3A_128 = vector.broadcast %parallel_loop3A_127 : i32 to vector<16xi32>
      %parallel_loop3A_129 = arith.addi %parallel_loop3A_126, %parallel_loop3A_128 : vector<16xi32>
      %parallel_loop3A_130 = arith.constant 63 : i32
      %parallel_loop3A_131 = vector.broadcast %parallel_loop3A_130 : i32 to vector<16xi32>
      %parallel_loop3A_132 = arith.andi %parallel_loop3A_129, %parallel_loop3A_131 : vector<16xi32>
      %parallel_loop3A_133 = tpu.vector_load_idx %arg5[%parallel_loop3A_13, %parallel_loop3A_132] : memref<1024x64xf32, #tpu.memory_space<vmem>>[vector<16xi32>, vector<16xi32>], vector<16xf32>,
      %parallel_loop3A_134 = arith.cmpf ogt, %parallel_loop3A_133, %parallel_loop3A_124 : vector<16xf32>
      %parallel_loop3A_135 = arith.cmpf ogt, %parallel_loop3A_133, %parallel_loop3A_121 : vector<16xf32>
      %parallel_loop3A_136 = arith.minimumf %parallel_loop3A_133, %parallel_loop3A_124 : vector<16xf32>
      %parallel_loop3A_137 = arith.maximumf %parallel_loop3A_121, %parallel_loop3A_136 : vector<16xf32>
      %parallel_loop3A_138 = arith.select %parallel_loop3A_135, %parallel_loop3A_132, %parallel_loop3A_123 : vector<16xi1>, vector<16xi32>
      %parallel_loop3A_139 = arith.select %parallel_loop3A_134, %parallel_loop3A_125, %parallel_loop3A_138 : vector<16xi1>, vector<16xi32>
      %parallel_loop3A_140 = arith.maximumf %parallel_loop3A_124, %parallel_loop3A_133 : vector<16xf32>
      %parallel_loop3A_141 = arith.select %parallel_loop3A_134, %parallel_loop3A_132, %parallel_loop3A_125 : vector<16xi1>, vector<16xi32>
      %parallel_loop3A_142 = tpu.iota {dimensions = array<i32: 0>} : vector<16xi32>
      %parallel_loop3A_143 = arith.constant 8 : i32
      %parallel_loop3A_144 = vector.broadcast %parallel_loop3A_143 : i32 to vector<16xi32>
      %parallel_loop3A_145 = arith.addi %parallel_loop3A_142, %parallel_loop3A_144 : vector<16xi32>
      %parallel_loop3A_146 = arith.constant 63 : i32
      %parallel_loop3A_147 = vector.broadcast %parallel_loop3A_146 : i32 to vector<16xi32>
      %parallel_loop3A_148 = arith.andi %parallel_loop3A_145, %parallel_loop3A_147 : vector<16xi32>
      %parallel_loop3A_149 = tpu.vector_load_idx %arg5[%parallel_loop3A_13, %parallel_loop3A_148] : memref<1024x64xf32, #tpu.memory_space<vmem>>[vector<16xi32>, vector<16xi32>], vector<16xf32>,
      %parallel_loop3A_150 = arith.cmpf ogt, %parallel_loop3A_149, %parallel_loop3A_140 : vector<16xf32>
      %parallel_loop3A_151 = arith.cmpf ogt, %parallel_loop3A_149, %parallel_loop3A_137 : vector<16xf32>
      %parallel_loop3A_152 = arith.minimumf %parallel_loop3A_149, %parallel_loop3A_140 : vector<16xf32>
      %parallel_loop3A_153 = arith.maximumf %parallel_loop3A_137, %parallel_loop3A_152 : vector<16xf32>
      %parallel_loop3A_154 = arith.select %parallel_loop3A_151, %parallel_loop3A_148, %parallel_loop3A_139 : vector<16xi1>, vector<16xi32>
      %parallel_loop3A_155 = arith.select %parallel_loop3A_150, %parallel_loop3A_141, %parallel_loop3A_154 : vector<16xi1>, vector<16xi32>
      %parallel_loop3A_156 = arith.maximumf %parallel_loop3A_140, %parallel_loop3A_149 : vector<16xf32>
      %parallel_loop3A_157 = arith.select %parallel_loop3A_150, %parallel_loop3A_148, %parallel_loop3A_141 : vector<16xi1>, vector<16xi32>
      %parallel_loop3A_158 = tpu.iota {dimensions = array<i32: 0>} : vector<16xi32>
      %parallel_loop3A_159 = arith.constant 9 : i32
      %parallel_loop3A_160 = vector.broadcast %parallel_loop3A_159 : i32 to vector<16xi32>
      %parallel_loop3A_161 = arith.addi %parallel_loop3A_158, %parallel_loop3A_160 : vector<16xi32>
      %parallel_loop3A_162 = arith.constant 63 : i32
      %parallel_loop3A_163 = vector.broadcast %parallel_loop3A_162 : i32 to vector<16xi32>
      %parallel_loop3A_164 = arith.andi %parallel_loop3A_161, %parallel_loop3A_163 : vector<16xi32>
      %parallel_loop3A_165 = tpu.vector_load_idx %arg5[%parallel_loop3A_13, %parallel_loop3A_164] : memref<1024x64xf32, #tpu.memory_space<vmem>>[vector<16xi32>, vector<16xi32>], vector<16xf32>,
      %parallel_loop3A_166 = arith.cmpf ogt, %parallel_loop3A_165, %parallel_loop3A_156 : vector<16xf32>
      %parallel_loop3A_167 = arith.cmpf ogt, %parallel_loop3A_165, %parallel_loop3A_153 : vector<16xf32>
      %parallel_loop3A_168 = arith.minimumf %parallel_loop3A_165, %parallel_loop3A_156 : vector<16xf32>
      %parallel_loop3A_169 = arith.maximumf %parallel_loop3A_153, %parallel_loop3A_168 : vector<16xf32>
      %parallel_loop3A_170 = arith.select %parallel_loop3A_167, %parallel_loop3A_164, %parallel_loop3A_155 : vector<16xi1>, vector<16xi32>
      %parallel_loop3A_171 = arith.select %parallel_loop3A_166, %parallel_loop3A_157, %parallel_loop3A_170 : vector<16xi1>, vector<16xi32>
      %parallel_loop3A_172 = arith.maximumf %parallel_loop3A_156, %parallel_loop3A_165 : vector<16xf32>
      %parallel_loop3A_173 = arith.select %parallel_loop3A_166, %parallel_loop3A_164, %parallel_loop3A_157 : vector<16xi1>, vector<16xi32>
      %parallel_loop3A_174 = tpu.iota {dimensions = array<i32: 0>} : vector<16xi32>
      %parallel_loop3A_175 = arith.constant 10 : i32
      %parallel_loop3A_176 = vector.broadcast %parallel_loop3A_175 : i32 to vector<16xi32>
      %parallel_loop3A_177 = arith.addi %parallel_loop3A_174, %parallel_loop3A_176 : vector<16xi32>
      %parallel_loop3A_178 = arith.constant 63 : i32
      %parallel_loop3A_179 = vector.broadcast %parallel_loop3A_178 : i32 to vector<16xi32>
      %parallel_loop3A_180 = arith.andi %parallel_loop3A_177, %parallel_loop3A_179 : vector<16xi32>
      %parallel_loop3A_181 = tpu.vector_load_idx %arg5[%parallel_loop3A_13, %parallel_loop3A_180] : memref<1024x64xf32, #tpu.memory_space<vmem>>[vector<16xi32>, vector<16xi32>], vector<16xf32>,
      %parallel_loop3A_182 = arith.cmpf ogt, %parallel_loop3A_181, %parallel_loop3A_172 : vector<16xf32>
      %parallel_loop3A_183 = arith.cmpf ogt, %parallel_loop3A_181, %parallel_loop3A_169 : vector<16xf32>
      %parallel_loop3A_184 = arith.minimumf %parallel_loop3A_181, %parallel_loop3A_172 : vector<16xf32>
      %parallel_loop3A_185 = arith.maximumf %parallel_loop3A_169, %parallel_loop3A_184 : vector<16xf32>
      %parallel_loop3A_186 = arith.select %parallel_loop3A_183, %parallel_loop3A_180, %parallel_loop3A_171 : vector<16xi1>, vector<16xi32>
      %parallel_loop3A_187 = arith.select %parallel_loop3A_182, %parallel_loop3A_173, %parallel_loop3A_186 : vector<16xi1>, vector<16xi32>
      %parallel_loop3A_188 = arith.maximumf %parallel_loop3A_172, %parallel_loop3A_181 : vector<16xf32>
      %parallel_loop3A_189 = arith.select %parallel_loop3A_182, %parallel_loop3A_180, %parallel_loop3A_173 : vector<16xi1>, vector<16xi32>
      %parallel_loop3A_190 = tpu.iota {dimensions = array<i32: 0>} : vector<16xi32>
      %parallel_loop3A_191 = arith.constant 11 : i32
      %parallel_loop3A_192 = vector.broadcast %parallel_loop3A_191 : i32 to vector<16xi32>
      %parallel_loop3A_193 = arith.addi %parallel_loop3A_190, %parallel_loop3A_192 : vector<16xi32>
      %parallel_loop3A_194 = arith.constant 63 : i32
      %parallel_loop3A_195 = vector.broadcast %parallel_loop3A_194 : i32 to vector<16xi32>
      %parallel_loop3A_196 = arith.andi %parallel_loop3A_193, %parallel_loop3A_195 : vector<16xi32>
      %parallel_loop3A_197 = tpu.vector_load_idx %arg5[%parallel_loop3A_13, %parallel_loop3A_196] : memref<1024x64xf32, #tpu.memory_space<vmem>>[vector<16xi32>, vector<16xi32>], vector<16xf32>,
      %parallel_loop3A_198 = arith.cmpf ogt, %parallel_loop3A_197, %parallel_loop3A_188 : vector<16xf32>
      %parallel_loop3A_199 = arith.cmpf ogt, %parallel_loop3A_197, %parallel_loop3A_185 : vector<16xf32>
      %parallel_loop3A_200 = arith.minimumf %parallel_loop3A_197, %parallel_loop3A_188 : vector<16xf32>
      %parallel_loop3A_201 = arith.maximumf %parallel_loop3A_185, %parallel_loop3A_200 : vector<16xf32>
      %parallel_loop3A_202 = arith.select %parallel_loop3A_199, %parallel_loop3A_196, %parallel_loop3A_187 : vector<16xi1>, vector<16xi32>
      %parallel_loop3A_203 = arith.select %parallel_loop3A_198, %parallel_loop3A_189, %parallel_loop3A_202 : vector<16xi1>, vector<16xi32>
      %parallel_loop3A_204 = arith.maximumf %parallel_loop3A_188, %parallel_loop3A_197 : vector<16xf32>
      %parallel_loop3A_205 = arith.select %parallel_loop3A_198, %parallel_loop3A_196, %parallel_loop3A_189 : vector<16xi1>, vector<16xi32>
      %parallel_loop3A_206 = tpu.iota {dimensions = array<i32: 0>} : vector<16xi32>
      %parallel_loop3A_207 = arith.constant 12 : i32
      %parallel_loop3A_208 = vector.broadcast %parallel_loop3A_207 : i32 to vector<16xi32>
      %parallel_loop3A_209 = arith.addi %parallel_loop3A_206, %parallel_loop3A_208 : vector<16xi32>
      %parallel_loop3A_210 = arith.constant 63 : i32
      %parallel_loop3A_211 = vector.broadcast %parallel_loop3A_210 : i32 to vector<16xi32>
      %parallel_loop3A_212 = arith.andi %parallel_loop3A_209, %parallel_loop3A_211 : vector<16xi32>
      %parallel_loop3A_213 = tpu.vector_load_idx %arg5[%parallel_loop3A_13, %parallel_loop3A_212] : memref<1024x64xf32, #tpu.memory_space<vmem>>[vector<16xi32>, vector<16xi32>], vector<16xf32>,
      %parallel_loop3A_214 = arith.cmpf ogt, %parallel_loop3A_213, %parallel_loop3A_204 : vector<16xf32>
      %parallel_loop3A_215 = arith.cmpf ogt, %parallel_loop3A_213, %parallel_loop3A_201 : vector<16xf32>
      %parallel_loop3A_216 = arith.minimumf %parallel_loop3A_213, %parallel_loop3A_204 : vector<16xf32>
      %parallel_loop3A_217 = arith.maximumf %parallel_loop3A_201, %parallel_loop3A_216 : vector<16xf32>
      %parallel_loop3A_218 = arith.select %parallel_loop3A_215, %parallel_loop3A_212, %parallel_loop3A_203 : vector<16xi1>, vector<16xi32>
      %parallel_loop3A_219 = arith.select %parallel_loop3A_214, %parallel_loop3A_205, %parallel_loop3A_218 : vector<16xi1>, vector<16xi32>
      %parallel_loop3A_220 = arith.maximumf %parallel_loop3A_204, %parallel_loop3A_213 : vector<16xf32>
      %parallel_loop3A_221 = arith.select %parallel_loop3A_214, %parallel_loop3A_212, %parallel_loop3A_205 : vector<16xi1>, vector<16xi32>
      %parallel_loop3A_222 = tpu.iota {dimensions = array<i32: 0>} : vector<16xi32>
      %parallel_loop3A_223 = arith.constant 13 : i32
      %parallel_loop3A_224 = vector.broadcast %parallel_loop3A_223 : i32 to vector<16xi32>
      %parallel_loop3A_225 = arith.addi %parallel_loop3A_222, %parallel_loop3A_224 : vector<16xi32>
      %parallel_loop3A_226 = arith.constant 63 : i32
      %parallel_loop3A_227 = vector.broadcast %parallel_loop3A_226 : i32 to vector<16xi32>
      %parallel_loop3A_228 = arith.andi %parallel_loop3A_225, %parallel_loop3A_227 : vector<16xi32>
      %parallel_loop3A_229 = tpu.vector_load_idx %arg5[%parallel_loop3A_13, %parallel_loop3A_228] : memref<1024x64xf32, #tpu.memory_space<vmem>>[vector<16xi32>, vector<16xi32>], vector<16xf32>,
      %parallel_loop3A_230 = arith.cmpf ogt, %parallel_loop3A_229, %parallel_loop3A_220 : vector<16xf32>
      %parallel_loop3A_231 = arith.cmpf ogt, %parallel_loop3A_229, %parallel_loop3A_217 : vector<16xf32>
      %parallel_loop3A_232 = arith.minimumf %parallel_loop3A_229, %parallel_loop3A_220 : vector<16xf32>
      %parallel_loop3A_233 = arith.maximumf %parallel_loop3A_217, %parallel_loop3A_232 : vector<16xf32>
      %parallel_loop3A_234 = arith.select %parallel_loop3A_231, %parallel_loop3A_228, %parallel_loop3A_219 : vector<16xi1>, vector<16xi32>
      %parallel_loop3A_235 = arith.select %parallel_loop3A_230, %parallel_loop3A_221, %parallel_loop3A_234 : vector<16xi1>, vector<16xi32>
      %parallel_loop3A_236 = arith.maximumf %parallel_loop3A_220, %parallel_loop3A_229 : vector<16xf32>
      %parallel_loop3A_237 = arith.select %parallel_loop3A_230, %parallel_loop3A_228, %parallel_loop3A_221 : vector<16xi1>, vector<16xi32>
      %parallel_loop3A_238 = tpu.iota {dimensions = array<i32: 0>} : vector<16xi32>
      %parallel_loop3A_239 = arith.constant 14 : i32
      %parallel_loop3A_240 = vector.broadcast %parallel_loop3A_239 : i32 to vector<16xi32>
      %parallel_loop3A_241 = arith.addi %parallel_loop3A_238, %parallel_loop3A_240 : vector<16xi32>
      %parallel_loop3A_242 = arith.constant 63 : i32
      %parallel_loop3A_243 = vector.broadcast %parallel_loop3A_242 : i32 to vector<16xi32>
      %parallel_loop3A_244 = arith.andi %parallel_loop3A_241, %parallel_loop3A_243 : vector<16xi32>
      %parallel_loop3A_245 = tpu.vector_load_idx %arg5[%parallel_loop3A_13, %parallel_loop3A_244] : memref<1024x64xf32, #tpu.memory_space<vmem>>[vector<16xi32>, vector<16xi32>], vector<16xf32>,
      %parallel_loop3A_246 = arith.cmpf ogt, %parallel_loop3A_245, %parallel_loop3A_236 : vector<16xf32>
      %parallel_loop3A_247 = arith.cmpf ogt, %parallel_loop3A_245, %parallel_loop3A_233 : vector<16xf32>
      %parallel_loop3A_248 = arith.minimumf %parallel_loop3A_245, %parallel_loop3A_236 : vector<16xf32>
      %parallel_loop3A_249 = arith.maximumf %parallel_loop3A_233, %parallel_loop3A_248 : vector<16xf32>
      %parallel_loop3A_250 = arith.select %parallel_loop3A_247, %parallel_loop3A_244, %parallel_loop3A_235 : vector<16xi1>, vector<16xi32>
      %parallel_loop3A_251 = arith.select %parallel_loop3A_246, %parallel_loop3A_237, %parallel_loop3A_250 : vector<16xi1>, vector<16xi32>
      %parallel_loop3A_252 = arith.maximumf %parallel_loop3A_236, %parallel_loop3A_245 : vector<16xf32>
      %parallel_loop3A_253 = arith.select %parallel_loop3A_246, %parallel_loop3A_244, %parallel_loop3A_237 : vector<16xi1>, vector<16xi32>
      %parallel_loop3A_254 = tpu.iota {dimensions = array<i32: 0>} : vector<16xi32>
      %parallel_loop3A_255 = arith.constant 15 : i32
      %parallel_loop3A_256 = vector.broadcast %parallel_loop3A_255 : i32 to vector<16xi32>
      %parallel_loop3A_257 = arith.addi %parallel_loop3A_254, %parallel_loop3A_256 : vector<16xi32>
      %parallel_loop3A_258 = arith.constant 63 : i32
      %parallel_loop3A_259 = vector.broadcast %parallel_loop3A_258 : i32 to vector<16xi32>
      %parallel_loop3A_260 = arith.andi %parallel_loop3A_257, %parallel_loop3A_259 : vector<16xi32>
      %parallel_loop3A_261 = tpu.vector_load_idx %arg5[%parallel_loop3A_13, %parallel_loop3A_260] : memref<1024x64xf32, #tpu.memory_space<vmem>>[vector<16xi32>, vector<16xi32>], vector<16xf32>,
      %parallel_loop3A_262 = arith.cmpf ogt, %parallel_loop3A_261, %parallel_loop3A_252 : vector<16xf32>
      %parallel_loop3A_263 = arith.cmpf ogt, %parallel_loop3A_261, %parallel_loop3A_249 : vector<16xf32>
      %parallel_loop3A_264 = arith.minimumf %parallel_loop3A_261, %parallel_loop3A_252 : vector<16xf32>
      %parallel_loop3A_265 = arith.maximumf %parallel_loop3A_249, %parallel_loop3A_264 : vector<16xf32>
      %parallel_loop3A_266 = arith.select %parallel_loop3A_263, %parallel_loop3A_260, %parallel_loop3A_251 : vector<16xi1>, vector<16xi32>
      %parallel_loop3A_267 = arith.select %parallel_loop3A_262, %parallel_loop3A_253, %parallel_loop3A_266 : vector<16xi1>, vector<16xi32>
      %parallel_loop3A_268 = arith.maximumf %parallel_loop3A_252, %parallel_loop3A_261 : vector<16xf32>
      %parallel_loop3A_269 = arith.select %parallel_loop3A_262, %parallel_loop3A_260, %parallel_loop3A_253 : vector<16xi1>, vector<16xi32>
      %parallel_loop3A_270 = tpu.iota {dimensions = array<i32: 0>} : vector<16xi32>
      %parallel_loop3A_271 = arith.constant 16 : i32
      %parallel_loop3A_272 = vector.broadcast %parallel_loop3A_271 : i32 to vector<16xi32>
      %parallel_loop3A_273 = arith.addi %parallel_loop3A_270, %parallel_loop3A_272 : vector<16xi32>
      %parallel_loop3A_274 = arith.constant 63 : i32
      %parallel_loop3A_275 = vector.broadcast %parallel_loop3A_274 : i32 to vector<16xi32>
      %parallel_loop3A_276 = arith.andi %parallel_loop3A_273, %parallel_loop3A_275 : vector<16xi32>
      %parallel_loop3A_277 = tpu.vector_load_idx %arg5[%parallel_loop3A_13, %parallel_loop3A_276] : memref<1024x64xf32, #tpu.memory_space<vmem>>[vector<16xi32>, vector<16xi32>], vector<16xf32>,
      %parallel_loop3A_278 = arith.cmpf ogt, %parallel_loop3A_277, %broadcast_in_dim3A_5 : vector<16xf32>
      %parallel_loop3A_279 = arith.cmpf ogt, %parallel_loop3A_277, %broadcast_in_dim3A_5 : vector<16xf32>
      %parallel_loop3A_280 = arith.minimumf %parallel_loop3A_277, %broadcast_in_dim3A_5 : vector<16xf32>
      %parallel_loop3A_281 = arith.maximumf %broadcast_in_dim3A_5, %parallel_loop3A_280 : vector<16xf32>
      %parallel_loop3A_282 = arith.select %parallel_loop3A_279, %parallel_loop3A_276, %broadcast_in_dim3A_3 : vector<16xi1>, vector<16xi32>
      %parallel_loop3A_283 = arith.select %parallel_loop3A_278, %broadcast_in_dim3A_3, %parallel_loop3A_282 : vector<16xi1>, vector<16xi32>
      %parallel_loop3A_284 = arith.maximumf %broadcast_in_dim3A_5, %parallel_loop3A_277 : vector<16xf32>
      %parallel_loop3A_285 = arith.select %parallel_loop3A_278, %parallel_loop3A_276, %broadcast_in_dim3A_3 : vector<16xi1>, vector<16xi32>
      %parallel_loop3A_286 = tpu.iota {dimensions = array<i32: 0>} : vector<16xi32>
      %parallel_loop3A_287 = arith.constant 17 : i32
      %parallel_loop3A_288 = vector.broadcast %parallel_loop3A_287 : i32 to vector<16xi32>
      %parallel_loop3A_289 = arith.addi %parallel_loop3A_286, %parallel_loop3A_288 : vector<16xi32>
      %parallel_loop3A_290 = arith.constant 63 : i32
      %parallel_loop3A_291 = vector.broadcast %parallel_loop3A_290 : i32 to vector<16xi32>
      %parallel_loop3A_292 = arith.andi %parallel_loop3A_289, %parallel_loop3A_291 : vector<16xi32>
      %parallel_loop3A_293 = tpu.vector_load_idx %arg5[%parallel_loop3A_13, %parallel_loop3A_292] : memref<1024x64xf32, #tpu.memory_space<vmem>>[vector<16xi32>, vector<16xi32>], vector<16xf32>,
      %parallel_loop3A_294 = arith.cmpf ogt, %parallel_loop3A_293, %parallel_loop3A_284 : vector<16xf32>
      %parallel_loop3A_295 = arith.cmpf ogt, %parallel_loop3A_293, %parallel_loop3A_281 : vector<16xf32>
      %parallel_loop3A_296 = arith.minimumf %parallel_loop3A_293, %parallel_loop3A_284 : vector<16xf32>
      %parallel_loop3A_297 = arith.maximumf %parallel_loop3A_281, %parallel_loop3A_296 : vector<16xf32>
      %parallel_loop3A_298 = arith.select %parallel_loop3A_295, %parallel_loop3A_292, %parallel_loop3A_283 : vector<16xi1>, vector<16xi32>
      %parallel_loop3A_299 = arith.select %parallel_loop3A_294, %parallel_loop3A_285, %parallel_loop3A_298 : vector<16xi1>, vector<16xi32>
      %parallel_loop3A_300 = arith.maximumf %parallel_loop3A_284, %parallel_loop3A_293 : vector<16xf32>
      %parallel_loop3A_301 = arith.select %parallel_loop3A_294, %parallel_loop3A_292, %parallel_loop3A_285 : vector<16xi1>, vector<16xi32>
      %parallel_loop3A_302 = tpu.iota {dimensions = array<i32: 0>} : vector<16xi32>
      %parallel_loop3A_303 = arith.constant 18 : i32
      %parallel_loop3A_304 = vector.broadcast %parallel_loop3A_303 : i32 to vector<16xi32>
      %parallel_loop3A_305 = arith.addi %parallel_loop3A_302, %parallel_loop3A_304 : vector<16xi32>
      %parallel_loop3A_306 = arith.constant 63 : i32
      %parallel_loop3A_307 = vector.broadcast %parallel_loop3A_306 : i32 to vector<16xi32>
      %parallel_loop3A_308 = arith.andi %parallel_loop3A_305, %parallel_loop3A_307 : vector<16xi32>
      %parallel_loop3A_309 = tpu.vector_load_idx %arg5[%parallel_loop3A_13, %parallel_loop3A_308] : memref<1024x64xf32, #tpu.memory_space<vmem>>[vector<16xi32>, vector<16xi32>], vector<16xf32>,
      %parallel_loop3A_310 = arith.cmpf ogt, %parallel_loop3A_309, %parallel_loop3A_300 : vector<16xf32>
      %parallel_loop3A_311 = arith.cmpf ogt, %parallel_loop3A_309, %parallel_loop3A_297 : vector<16xf32>
      %parallel_loop3A_312 = arith.minimumf %parallel_loop3A_309, %parallel_loop3A_300 : vector<16xf32>
      %parallel_loop3A_313 = arith.maximumf %parallel_loop3A_297, %parallel_loop3A_312 : vector<16xf32>
      %parallel_loop3A_314 = arith.select %parallel_loop3A_311, %parallel_loop3A_308, %parallel_loop3A_299 : vector<16xi1>, vector<16xi32>
      %parallel_loop3A_315 = arith.select %parallel_loop3A_310, %parallel_loop3A_301, %parallel_loop3A_314 : vector<16xi1>, vector<16xi32>
      %parallel_loop3A_316 = arith.maximumf %parallel_loop3A_300, %parallel_loop3A_309 : vector<16xf32>
      %parallel_loop3A_317 = arith.select %parallel_loop3A_310, %parallel_loop3A_308, %parallel_loop3A_301 : vector<16xi1>, vector<16xi32>
      %parallel_loop3A_318 = tpu.iota {dimensions = array<i32: 0>} : vector<16xi32>
      %parallel_loop3A_319 = arith.constant 19 : i32
      %parallel_loop3A_320 = vector.broadcast %parallel_loop3A_319 : i32 to vector<16xi32>
      %parallel_loop3A_321 = arith.addi %parallel_loop3A_318, %parallel_loop3A_320 : vector<16xi32>
      %parallel_loop3A_322 = arith.constant 63 : i32
      %parallel_loop3A_323 = vector.broadcast %parallel_loop3A_322 : i32 to vector<16xi32>
      %parallel_loop3A_324 = arith.andi %parallel_loop3A_321, %parallel_loop3A_323 : vector<16xi32>
      %parallel_loop3A_325 = tpu.vector_load_idx %arg5[%parallel_loop3A_13, %parallel_loop3A_324] : memref<1024x64xf32, #tpu.memory_space<vmem>>[vector<16xi32>, vector<16xi32>], vector<16xf32>,
      %parallel_loop3A_326 = arith.cmpf ogt, %parallel_loop3A_325, %parallel_loop3A_316 : vector<16xf32>
      %parallel_loop3A_327 = arith.cmpf ogt, %parallel_loop3A_325, %parallel_loop3A_313 : vector<16xf32>
      %parallel_loop3A_328 = arith.minimumf %parallel_loop3A_325, %parallel_loop3A_316 : vector<16xf32>
      %parallel_loop3A_329 = arith.maximumf %parallel_loop3A_313, %parallel_loop3A_328 : vector<16xf32>
      %parallel_loop3A_330 = arith.select %parallel_loop3A_327, %parallel_loop3A_324, %parallel_loop3A_315 : vector<16xi1>, vector<16xi32>
      %parallel_loop3A_331 = arith.select %parallel_loop3A_326, %parallel_loop3A_317, %parallel_loop3A_330 : vector<16xi1>, vector<16xi32>
      %parallel_loop3A_332 = arith.maximumf %parallel_loop3A_316, %parallel_loop3A_325 : vector<16xf32>
      %parallel_loop3A_333 = arith.select %parallel_loop3A_326, %parallel_loop3A_324, %parallel_loop3A_317 : vector<16xi1>, vector<16xi32>
      %parallel_loop3A_334 = tpu.iota {dimensions = array<i32: 0>} : vector<16xi32>
      %parallel_loop3A_335 = arith.constant 20 : i32
      %parallel_loop3A_336 = vector.broadcast %parallel_loop3A_335 : i32 to vector<16xi32>
      %parallel_loop3A_337 = arith.addi %parallel_loop3A_334, %parallel_loop3A_336 : vector<16xi32>
      %parallel_loop3A_338 = arith.constant 63 : i32
      %parallel_loop3A_339 = vector.broadcast %parallel_loop3A_338 : i32 to vector<16xi32>
      %parallel_loop3A_340 = arith.andi %parallel_loop3A_337, %parallel_loop3A_339 : vector<16xi32>
      %parallel_loop3A_341 = tpu.vector_load_idx %arg5[%parallel_loop3A_13, %parallel_loop3A_340] : memref<1024x64xf32, #tpu.memory_space<vmem>>[vector<16xi32>, vector<16xi32>], vector<16xf32>,
      %parallel_loop3A_342 = arith.cmpf ogt, %parallel_loop3A_341, %parallel_loop3A_332 : vector<16xf32>
      %parallel_loop3A_343 = arith.cmpf ogt, %parallel_loop3A_341, %parallel_loop3A_329 : vector<16xf32>
      %parallel_loop3A_344 = arith.minimumf %parallel_loop3A_341, %parallel_loop3A_332 : vector<16xf32>
      %parallel_loop3A_345 = arith.maximumf %parallel_loop3A_329, %parallel_loop3A_344 : vector<16xf32>
      %parallel_loop3A_346 = arith.select %parallel_loop3A_343, %parallel_loop3A_340, %parallel_loop3A_331 : vector<16xi1>, vector<16xi32>
      %parallel_loop3A_347 = arith.select %parallel_loop3A_342, %parallel_loop3A_333, %parallel_loop3A_346 : vector<16xi1>, vector<16xi32>
      %parallel_loop3A_348 = arith.maximumf %parallel_loop3A_332, %parallel_loop3A_341 : vector<16xf32>
      %parallel_loop3A_349 = arith.select %parallel_loop3A_342, %parallel_loop3A_340, %parallel_loop3A_333 : vector<16xi1>, vector<16xi32>
      %parallel_loop3A_350 = tpu.iota {dimensions = array<i32: 0>} : vector<16xi32>
      %parallel_loop3A_351 = arith.constant 21 : i32
      %parallel_loop3A_352 = vector.broadcast %parallel_loop3A_351 : i32 to vector<16xi32>
      %parallel_loop3A_353 = arith.addi %parallel_loop3A_350, %parallel_loop3A_352 : vector<16xi32>
      %parallel_loop3A_354 = arith.constant 63 : i32
      %parallel_loop3A_355 = vector.broadcast %parallel_loop3A_354 : i32 to vector<16xi32>
      %parallel_loop3A_356 = arith.andi %parallel_loop3A_353, %parallel_loop3A_355 : vector<16xi32>
      %parallel_loop3A_357 = tpu.vector_load_idx %arg5[%parallel_loop3A_13, %parallel_loop3A_356] : memref<1024x64xf32, #tpu.memory_space<vmem>>[vector<16xi32>, vector<16xi32>], vector<16xf32>,
      %parallel_loop3A_358 = arith.cmpf ogt, %parallel_loop3A_357, %parallel_loop3A_348 : vector<16xf32>
      %parallel_loop3A_359 = arith.cmpf ogt, %parallel_loop3A_357, %parallel_loop3A_345 : vector<16xf32>
      %parallel_loop3A_360 = arith.minimumf %parallel_loop3A_357, %parallel_loop3A_348 : vector<16xf32>
      %parallel_loop3A_361 = arith.maximumf %parallel_loop3A_345, %parallel_loop3A_360 : vector<16xf32>
      %parallel_loop3A_362 = arith.select %parallel_loop3A_359, %parallel_loop3A_356, %parallel_loop3A_347 : vector<16xi1>, vector<16xi32>
      %parallel_loop3A_363 = arith.select %parallel_loop3A_358, %parallel_loop3A_349, %parallel_loop3A_362 : vector<16xi1>, vector<16xi32>
      %parallel_loop3A_364 = arith.maximumf %parallel_loop3A_348, %parallel_loop3A_357 : vector<16xf32>
      %parallel_loop3A_365 = arith.select %parallel_loop3A_358, %parallel_loop3A_356, %parallel_loop3A_349 : vector<16xi1>, vector<16xi32>
      %parallel_loop3A_366 = tpu.iota {dimensions = array<i32: 0>} : vector<16xi32>
      %parallel_loop3A_367 = arith.constant 22 : i32
      %parallel_loop3A_368 = vector.broadcast %parallel_loop3A_367 : i32 to vector<16xi32>
      %parallel_loop3A_369 = arith.addi %parallel_loop3A_366, %parallel_loop3A_368 : vector<16xi32>
      %parallel_loop3A_370 = arith.constant 63 : i32
      %parallel_loop3A_371 = vector.broadcast %parallel_loop3A_370 : i32 to vector<16xi32>
      %parallel_loop3A_372 = arith.andi %parallel_loop3A_369, %parallel_loop3A_371 : vector<16xi32>
      %parallel_loop3A_373 = tpu.vector_load_idx %arg5[%parallel_loop3A_13, %parallel_loop3A_372] : memref<1024x64xf32, #tpu.memory_space<vmem>>[vector<16xi32>, vector<16xi32>], vector<16xf32>,
      %parallel_loop3A_374 = arith.cmpf ogt, %parallel_loop3A_373, %parallel_loop3A_364 : vector<16xf32>
      %parallel_loop3A_375 = arith.cmpf ogt, %parallel_loop3A_373, %parallel_loop3A_361 : vector<16xf32>
      %parallel_loop3A_376 = arith.minimumf %parallel_loop3A_373, %parallel_loop3A_364 : vector<16xf32>
      %parallel_loop3A_377 = arith.maximumf %parallel_loop3A_361, %parallel_loop3A_376 : vector<16xf32>
      %parallel_loop3A_378 = arith.select %parallel_loop3A_375, %parallel_loop3A_372, %parallel_loop3A_363 : vector<16xi1>, vector<16xi32>
      %parallel_loop3A_379 = arith.select %parallel_loop3A_374, %parallel_loop3A_365, %parallel_loop3A_378 : vector<16xi1>, vector<16xi32>
      %parallel_loop3A_380 = arith.maximumf %parallel_loop3A_364, %parallel_loop3A_373 : vector<16xf32>
      %parallel_loop3A_381 = arith.select %parallel_loop3A_374, %parallel_loop3A_372, %parallel_loop3A_365 : vector<16xi1>, vector<16xi32>
      %parallel_loop3A_382 = tpu.iota {dimensions = array<i32: 0>} : vector<16xi32>
      %parallel_loop3A_383 = arith.constant 23 : i32
      %parallel_loop3A_384 = vector.broadcast %parallel_loop3A_383 : i32 to vector<16xi32>
      %parallel_loop3A_385 = arith.addi %parallel_loop3A_382, %parallel_loop3A_384 : vector<16xi32>
      %parallel_loop3A_386 = arith.constant 63 : i32
      %parallel_loop3A_387 = vector.broadcast %parallel_loop3A_386 : i32 to vector<16xi32>
      %parallel_loop3A_388 = arith.andi %parallel_loop3A_385, %parallel_loop3A_387 : vector<16xi32>
      %parallel_loop3A_389 = tpu.vector_load_idx %arg5[%parallel_loop3A_13, %parallel_loop3A_388] : memref<1024x64xf32, #tpu.memory_space<vmem>>[vector<16xi32>, vector<16xi32>], vector<16xf32>,
      %parallel_loop3A_390 = arith.cmpf ogt, %parallel_loop3A_389, %parallel_loop3A_380 : vector<16xf32>
      %parallel_loop3A_391 = arith.cmpf ogt, %parallel_loop3A_389, %parallel_loop3A_377 : vector<16xf32>
      %parallel_loop3A_392 = arith.minimumf %parallel_loop3A_389, %parallel_loop3A_380 : vector<16xf32>
      %parallel_loop3A_393 = arith.maximumf %parallel_loop3A_377, %parallel_loop3A_392 : vector<16xf32>
      %parallel_loop3A_394 = arith.select %parallel_loop3A_391, %parallel_loop3A_388, %parallel_loop3A_379 : vector<16xi1>, vector<16xi32>
      %parallel_loop3A_395 = arith.select %parallel_loop3A_390, %parallel_loop3A_381, %parallel_loop3A_394 : vector<16xi1>, vector<16xi32>
      %parallel_loop3A_396 = arith.maximumf %parallel_loop3A_380, %parallel_loop3A_389 : vector<16xf32>
      %parallel_loop3A_397 = arith.select %parallel_loop3A_390, %parallel_loop3A_388, %parallel_loop3A_381 : vector<16xi1>, vector<16xi32>
      %parallel_loop3A_398 = tpu.iota {dimensions = array<i32: 0>} : vector<16xi32>
      %parallel_loop3A_399 = arith.constant 24 : i32
      %parallel_loop3A_400 = vector.broadcast %parallel_loop3A_399 : i32 to vector<16xi32>
      %parallel_loop3A_401 = arith.addi %parallel_loop3A_398, %parallel_loop3A_400 : vector<16xi32>
      %parallel_loop3A_402 = arith.constant 63 : i32
      %parallel_loop3A_403 = vector.broadcast %parallel_loop3A_402 : i32 to vector<16xi32>
      %parallel_loop3A_404 = arith.andi %parallel_loop3A_401, %parallel_loop3A_403 : vector<16xi32>
      %parallel_loop3A_405 = tpu.vector_load_idx %arg5[%parallel_loop3A_13, %parallel_loop3A_404] : memref<1024x64xf32, #tpu.memory_space<vmem>>[vector<16xi32>, vector<16xi32>], vector<16xf32>,
      %parallel_loop3A_406 = arith.cmpf ogt, %parallel_loop3A_405, %parallel_loop3A_396 : vector<16xf32>
      %parallel_loop3A_407 = arith.cmpf ogt, %parallel_loop3A_405, %parallel_loop3A_393 : vector<16xf32>
      %parallel_loop3A_408 = arith.minimumf %parallel_loop3A_405, %parallel_loop3A_396 : vector<16xf32>
      %parallel_loop3A_409 = arith.maximumf %parallel_loop3A_393, %parallel_loop3A_408 : vector<16xf32>
      %parallel_loop3A_410 = arith.select %parallel_loop3A_407, %parallel_loop3A_404, %parallel_loop3A_395 : vector<16xi1>, vector<16xi32>
      %parallel_loop3A_411 = arith.select %parallel_loop3A_406, %parallel_loop3A_397, %parallel_loop3A_410 : vector<16xi1>, vector<16xi32>
      %parallel_loop3A_412 = arith.maximumf %parallel_loop3A_396, %parallel_loop3A_405 : vector<16xf32>
      %parallel_loop3A_413 = arith.select %parallel_loop3A_406, %parallel_loop3A_404, %parallel_loop3A_397 : vector<16xi1>, vector<16xi32>
      %parallel_loop3A_414 = tpu.iota {dimensions = array<i32: 0>} : vector<16xi32>
      %parallel_loop3A_415 = arith.constant 25 : i32
      %parallel_loop3A_416 = vector.broadcast %parallel_loop3A_415 : i32 to vector<16xi32>
      %parallel_loop3A_417 = arith.addi %parallel_loop3A_414, %parallel_loop3A_416 : vector<16xi32>
      %parallel_loop3A_418 = arith.constant 63 : i32
      %parallel_loop3A_419 = vector.broadcast %parallel_loop3A_418 : i32 to vector<16xi32>
      %parallel_loop3A_420 = arith.andi %parallel_loop3A_417, %parallel_loop3A_419 : vector<16xi32>
      %parallel_loop3A_421 = tpu.vector_load_idx %arg5[%parallel_loop3A_13, %parallel_loop3A_420] : memref<1024x64xf32, #tpu.memory_space<vmem>>[vector<16xi32>, vector<16xi32>], vector<16xf32>,
      %parallel_loop3A_422 = arith.cmpf ogt, %parallel_loop3A_421, %parallel_loop3A_412 : vector<16xf32>
      %parallel_loop3A_423 = arith.cmpf ogt, %parallel_loop3A_421, %parallel_loop3A_409 : vector<16xf32>
      %parallel_loop3A_424 = arith.minimumf %parallel_loop3A_421, %parallel_loop3A_412 : vector<16xf32>
      %parallel_loop3A_425 = arith.maximumf %parallel_loop3A_409, %parallel_loop3A_424 : vector<16xf32>
      %parallel_loop3A_426 = arith.select %parallel_loop3A_423, %parallel_loop3A_420, %parallel_loop3A_411 : vector<16xi1>, vector<16xi32>
      %parallel_loop3A_427 = arith.select %parallel_loop3A_422, %parallel_loop3A_413, %parallel_loop3A_426 : vector<16xi1>, vector<16xi32>
      %parallel_loop3A_428 = arith.maximumf %parallel_loop3A_412, %parallel_loop3A_421 : vector<16xf32>
      %parallel_loop3A_429 = arith.select %parallel_loop3A_422, %parallel_loop3A_420, %parallel_loop3A_413 : vector<16xi1>, vector<16xi32>
      %parallel_loop3A_430 = tpu.iota {dimensions = array<i32: 0>} : vector<16xi32>
      %parallel_loop3A_431 = arith.constant 26 : i32
      %parallel_loop3A_432 = vector.broadcast %parallel_loop3A_431 : i32 to vector<16xi32>
      %parallel_loop3A_433 = arith.addi %parallel_loop3A_430, %parallel_loop3A_432 : vector<16xi32>
      %parallel_loop3A_434 = arith.constant 63 : i32
      %parallel_loop3A_435 = vector.broadcast %parallel_loop3A_434 : i32 to vector<16xi32>
      %parallel_loop3A_436 = arith.andi %parallel_loop3A_433, %parallel_loop3A_435 : vector<16xi32>
      %parallel_loop3A_437 = tpu.vector_load_idx %arg5[%parallel_loop3A_13, %parallel_loop3A_436] : memref<1024x64xf32, #tpu.memory_space<vmem>>[vector<16xi32>, vector<16xi32>], vector<16xf32>,
      %parallel_loop3A_438 = arith.cmpf ogt, %parallel_loop3A_437, %parallel_loop3A_428 : vector<16xf32>
      %parallel_loop3A_439 = arith.cmpf ogt, %parallel_loop3A_437, %parallel_loop3A_425 : vector<16xf32>
      %parallel_loop3A_440 = arith.minimumf %parallel_loop3A_437, %parallel_loop3A_428 : vector<16xf32>
      %parallel_loop3A_441 = arith.maximumf %parallel_loop3A_425, %parallel_loop3A_440 : vector<16xf32>
      %parallel_loop3A_442 = arith.select %parallel_loop3A_439, %parallel_loop3A_436, %parallel_loop3A_427 : vector<16xi1>, vector<16xi32>
      %parallel_loop3A_443 = arith.select %parallel_loop3A_438, %parallel_loop3A_429, %parallel_loop3A_442 : vector<16xi1>, vector<16xi32>
      %parallel_loop3A_444 = arith.maximumf %parallel_loop3A_428, %parallel_loop3A_437 : vector<16xf32>
      %parallel_loop3A_445 = arith.select %parallel_loop3A_438, %parallel_loop3A_436, %parallel_loop3A_429 : vector<16xi1>, vector<16xi32>
      %parallel_loop3A_446 = tpu.iota {dimensions = array<i32: 0>} : vector<16xi32>
      %parallel_loop3A_447 = arith.constant 27 : i32
      %parallel_loop3A_448 = vector.broadcast %parallel_loop3A_447 : i32 to vector<16xi32>
      %parallel_loop3A_449 = arith.addi %parallel_loop3A_446, %parallel_loop3A_448 : vector<16xi32>
      %parallel_loop3A_450 = arith.constant 63 : i32
      %parallel_loop3A_451 = vector.broadcast %parallel_loop3A_450 : i32 to vector<16xi32>
      %parallel_loop3A_452 = arith.andi %parallel_loop3A_449, %parallel_loop3A_451 : vector<16xi32>
      %parallel_loop3A_453 = tpu.vector_load_idx %arg5[%parallel_loop3A_13, %parallel_loop3A_452] : memref<1024x64xf32, #tpu.memory_space<vmem>>[vector<16xi32>, vector<16xi32>], vector<16xf32>,
      %parallel_loop3A_454 = arith.cmpf ogt, %parallel_loop3A_453, %parallel_loop3A_444 : vector<16xf32>
      %parallel_loop3A_455 = arith.cmpf ogt, %parallel_loop3A_453, %parallel_loop3A_441 : vector<16xf32>
      %parallel_loop3A_456 = arith.minimumf %parallel_loop3A_453, %parallel_loop3A_444 : vector<16xf32>
      %parallel_loop3A_457 = arith.maximumf %parallel_loop3A_441, %parallel_loop3A_456 : vector<16xf32>
      %parallel_loop3A_458 = arith.select %parallel_loop3A_455, %parallel_loop3A_452, %parallel_loop3A_443 : vector<16xi1>, vector<16xi32>
      %parallel_loop3A_459 = arith.select %parallel_loop3A_454, %parallel_loop3A_445, %parallel_loop3A_458 : vector<16xi1>, vector<16xi32>
      %parallel_loop3A_460 = arith.maximumf %parallel_loop3A_444, %parallel_loop3A_453 : vector<16xf32>
      %parallel_loop3A_461 = arith.select %parallel_loop3A_454, %parallel_loop3A_452, %parallel_loop3A_445 : vector<16xi1>, vector<16xi32>
      %parallel_loop3A_462 = tpu.iota {dimensions = array<i32: 0>} : vector<16xi32>
      %parallel_loop3A_463 = arith.constant 28 : i32
      %parallel_loop3A_464 = vector.broadcast %parallel_loop3A_463 : i32 to vector<16xi32>
      %parallel_loop3A_465 = arith.addi %parallel_loop3A_462, %parallel_loop3A_464 : vector<16xi32>
      %parallel_loop3A_466 = arith.constant 63 : i32
      %parallel_loop3A_467 = vector.broadcast %parallel_loop3A_466 : i32 to vector<16xi32>
      %parallel_loop3A_468 = arith.andi %parallel_loop3A_465, %parallel_loop3A_467 : vector<16xi32>
      %parallel_loop3A_469 = tpu.vector_load_idx %arg5[%parallel_loop3A_13, %parallel_loop3A_468] : memref<1024x64xf32, #tpu.memory_space<vmem>>[vector<16xi32>, vector<16xi32>], vector<16xf32>,
      %parallel_loop3A_470 = arith.cmpf ogt, %parallel_loop3A_469, %parallel_loop3A_460 : vector<16xf32>
      %parallel_loop3A_471 = arith.cmpf ogt, %parallel_loop3A_469, %parallel_loop3A_457 : vector<16xf32>
      %parallel_loop3A_472 = arith.minimumf %parallel_loop3A_469, %parallel_loop3A_460 : vector<16xf32>
      %parallel_loop3A_473 = arith.maximumf %parallel_loop3A_457, %parallel_loop3A_472 : vector<16xf32>
      %parallel_loop3A_474 = arith.select %parallel_loop3A_471, %parallel_loop3A_468, %parallel_loop3A_459 : vector<16xi1>, vector<16xi32>
      %parallel_loop3A_475 = arith.select %parallel_loop3A_470, %parallel_loop3A_461, %parallel_loop3A_474 : vector<16xi1>, vector<16xi32>
      %parallel_loop3A_476 = arith.maximumf %parallel_loop3A_460, %parallel_loop3A_469 : vector<16xf32>
      %parallel_loop3A_477 = arith.select %parallel_loop3A_470, %parallel_loop3A_468, %parallel_loop3A_461 : vector<16xi1>, vector<16xi32>
      %parallel_loop3A_478 = tpu.iota {dimensions = array<i32: 0>} : vector<16xi32>
      %parallel_loop3A_479 = arith.constant 29 : i32
      %parallel_loop3A_480 = vector.broadcast %parallel_loop3A_479 : i32 to vector<16xi32>
      %parallel_loop3A_481 = arith.addi %parallel_loop3A_478, %parallel_loop3A_480 : vector<16xi32>
      %parallel_loop3A_482 = arith.constant 63 : i32
      %parallel_loop3A_483 = vector.broadcast %parallel_loop3A_482 : i32 to vector<16xi32>
      %parallel_loop3A_484 = arith.andi %parallel_loop3A_481, %parallel_loop3A_483 : vector<16xi32>
      %parallel_loop3A_485 = tpu.vector_load_idx %arg5[%parallel_loop3A_13, %parallel_loop3A_484] : memref<1024x64xf32, #tpu.memory_space<vmem>>[vector<16xi32>, vector<16xi32>], vector<16xf32>,
      %parallel_loop3A_486 = arith.cmpf ogt, %parallel_loop3A_485, %parallel_loop3A_476 : vector<16xf32>
      %parallel_loop3A_487 = arith.cmpf ogt, %parallel_loop3A_485, %parallel_loop3A_473 : vector<16xf32>
      %parallel_loop3A_488 = arith.minimumf %parallel_loop3A_485, %parallel_loop3A_476 : vector<16xf32>
      %parallel_loop3A_489 = arith.maximumf %parallel_loop3A_473, %parallel_loop3A_488 : vector<16xf32>
      %parallel_loop3A_490 = arith.select %parallel_loop3A_487, %parallel_loop3A_484, %parallel_loop3A_475 : vector<16xi1>, vector<16xi32>
      %parallel_loop3A_491 = arith.select %parallel_loop3A_486, %parallel_loop3A_477, %parallel_loop3A_490 : vector<16xi1>, vector<16xi32>
      %parallel_loop3A_492 = arith.maximumf %parallel_loop3A_476, %parallel_loop3A_485 : vector<16xf32>
      %parallel_loop3A_493 = arith.select %parallel_loop3A_486, %parallel_loop3A_484, %parallel_loop3A_477 : vector<16xi1>, vector<16xi32>
      %parallel_loop3A_494 = tpu.iota {dimensions = array<i32: 0>} : vector<16xi32>
      %parallel_loop3A_495 = arith.constant 30 : i32
      %parallel_loop3A_496 = vector.broadcast %parallel_loop3A_495 : i32 to vector<16xi32>
      %parallel_loop3A_497 = arith.addi %parallel_loop3A_494, %parallel_loop3A_496 : vector<16xi32>
      %parallel_loop3A_498 = arith.constant 63 : i32
      %parallel_loop3A_499 = vector.broadcast %parallel_loop3A_498 : i32 to vector<16xi32>
      %parallel_loop3A_500 = arith.andi %parallel_loop3A_497, %parallel_loop3A_499 : vector<16xi32>
      %parallel_loop3A_501 = tpu.vector_load_idx %arg5[%parallel_loop3A_13, %parallel_loop3A_500] : memref<1024x64xf32, #tpu.memory_space<vmem>>[vector<16xi32>, vector<16xi32>], vector<16xf32>,
      %parallel_loop3A_502 = arith.cmpf ogt, %parallel_loop3A_501, %parallel_loop3A_492 : vector<16xf32>
      %parallel_loop3A_503 = arith.cmpf ogt, %parallel_loop3A_501, %parallel_loop3A_489 : vector<16xf32>
      %parallel_loop3A_504 = arith.minimumf %parallel_loop3A_501, %parallel_loop3A_492 : vector<16xf32>
      %parallel_loop3A_505 = arith.maximumf %parallel_loop3A_489, %parallel_loop3A_504 : vector<16xf32>
      %parallel_loop3A_506 = arith.select %parallel_loop3A_503, %parallel_loop3A_500, %parallel_loop3A_491 : vector<16xi1>, vector<16xi32>
      %parallel_loop3A_507 = arith.select %parallel_loop3A_502, %parallel_loop3A_493, %parallel_loop3A_506 : vector<16xi1>, vector<16xi32>
      %parallel_loop3A_508 = arith.maximumf %parallel_loop3A_492, %parallel_loop3A_501 : vector<16xf32>
      %parallel_loop3A_509 = arith.select %parallel_loop3A_502, %parallel_loop3A_500, %parallel_loop3A_493 : vector<16xi1>, vector<16xi32>
      %parallel_loop3A_510 = tpu.iota {dimensions = array<i32: 0>} : vector<16xi32>
      %parallel_loop3A_511 = arith.constant 31 : i32
      %parallel_loop3A_512 = vector.broadcast %parallel_loop3A_511 : i32 to vector<16xi32>
      %parallel_loop3A_513 = arith.addi %parallel_loop3A_510, %parallel_loop3A_512 : vector<16xi32>
      %parallel_loop3A_514 = arith.constant 63 : i32
      %parallel_loop3A_515 = vector.broadcast %parallel_loop3A_514 : i32 to vector<16xi32>
      %parallel_loop3A_516 = arith.andi %parallel_loop3A_513, %parallel_loop3A_515 : vector<16xi32>
      %parallel_loop3A_517 = tpu.vector_load_idx %arg5[%parallel_loop3A_13, %parallel_loop3A_516] : memref<1024x64xf32, #tpu.memory_space<vmem>>[vector<16xi32>, vector<16xi32>], vector<16xf32>,
      %parallel_loop3A_518 = arith.cmpf ogt, %parallel_loop3A_517, %parallel_loop3A_508 : vector<16xf32>
      %parallel_loop3A_519 = arith.cmpf ogt, %parallel_loop3A_517, %parallel_loop3A_505 : vector<16xf32>
      %parallel_loop3A_520 = arith.minimumf %parallel_loop3A_517, %parallel_loop3A_508 : vector<16xf32>
      %parallel_loop3A_521 = arith.maximumf %parallel_loop3A_505, %parallel_loop3A_520 : vector<16xf32>
      %parallel_loop3A_522 = arith.select %parallel_loop3A_519, %parallel_loop3A_516, %parallel_loop3A_507 : vector<16xi1>, vector<16xi32>
      %parallel_loop3A_523 = arith.select %parallel_loop3A_518, %parallel_loop3A_509, %parallel_loop3A_522 : vector<16xi1>, vector<16xi32>
      %parallel_loop3A_524 = arith.maximumf %parallel_loop3A_508, %parallel_loop3A_517 : vector<16xf32>
      %parallel_loop3A_525 = arith.select %parallel_loop3A_518, %parallel_loop3A_516, %parallel_loop3A_509 : vector<16xi1>, vector<16xi32>
      %parallel_loop3A_526 = tpu.iota {dimensions = array<i32: 0>} : vector<16xi32>
      %parallel_loop3A_527 = arith.constant 32 : i32
      %parallel_loop3A_528 = vector.broadcast %parallel_loop3A_527 : i32 to vector<16xi32>
      %parallel_loop3A_529 = arith.addi %parallel_loop3A_526, %parallel_loop3A_528 : vector<16xi32>
      %parallel_loop3A_530 = arith.constant 63 : i32
      %parallel_loop3A_531 = vector.broadcast %parallel_loop3A_530 : i32 to vector<16xi32>
      %parallel_loop3A_532 = arith.andi %parallel_loop3A_529, %parallel_loop3A_531 : vector<16xi32>
      %parallel_loop3A_533 = tpu.vector_load_idx %arg5[%parallel_loop3A_13, %parallel_loop3A_532] : memref<1024x64xf32, #tpu.memory_space<vmem>>[vector<16xi32>, vector<16xi32>], vector<16xf32>,
      %parallel_loop3A_534 = arith.cmpf ogt, %parallel_loop3A_533, %broadcast_in_dim3A_5 : vector<16xf32>
      %parallel_loop3A_535 = arith.cmpf ogt, %parallel_loop3A_533, %broadcast_in_dim3A_5 : vector<16xf32>
      %parallel_loop3A_536 = arith.minimumf %parallel_loop3A_533, %broadcast_in_dim3A_5 : vector<16xf32>
      %parallel_loop3A_537 = arith.maximumf %broadcast_in_dim3A_5, %parallel_loop3A_536 : vector<16xf32>
      %parallel_loop3A_538 = arith.select %parallel_loop3A_535, %parallel_loop3A_532, %broadcast_in_dim3A_3 : vector<16xi1>, vector<16xi32>
      %parallel_loop3A_539 = arith.select %parallel_loop3A_534, %broadcast_in_dim3A_3, %parallel_loop3A_538 : vector<16xi1>, vector<16xi32>
      %parallel_loop3A_540 = arith.maximumf %broadcast_in_dim3A_5, %parallel_loop3A_533 : vector<16xf32>
      %parallel_loop3A_541 = arith.select %parallel_loop3A_534, %parallel_loop3A_532, %broadcast_in_dim3A_3 : vector<16xi1>, vector<16xi32>
      %parallel_loop3A_542 = tpu.iota {dimensions = array<i32: 0>} : vector<16xi32>
      %parallel_loop3A_543 = arith.constant 33 : i32
      %parallel_loop3A_544 = vector.broadcast %parallel_loop3A_543 : i32 to vector<16xi32>
      %parallel_loop3A_545 = arith.addi %parallel_loop3A_542, %parallel_loop3A_544 : vector<16xi32>
      %parallel_loop3A_546 = arith.constant 63 : i32
      %parallel_loop3A_547 = vector.broadcast %parallel_loop3A_546 : i32 to vector<16xi32>
      %parallel_loop3A_548 = arith.andi %parallel_loop3A_545, %parallel_loop3A_547 : vector<16xi32>
      %parallel_loop3A_549 = tpu.vector_load_idx %arg5[%parallel_loop3A_13, %parallel_loop3A_548] : memref<1024x64xf32, #tpu.memory_space<vmem>>[vector<16xi32>, vector<16xi32>], vector<16xf32>,
      %parallel_loop3A_550 = arith.cmpf ogt, %parallel_loop3A_549, %parallel_loop3A_540 : vector<16xf32>
      %parallel_loop3A_551 = arith.cmpf ogt, %parallel_loop3A_549, %parallel_loop3A_537 : vector<16xf32>
      %parallel_loop3A_552 = arith.minimumf %parallel_loop3A_549, %parallel_loop3A_540 : vector<16xf32>
      %parallel_loop3A_553 = arith.maximumf %parallel_loop3A_537, %parallel_loop3A_552 : vector<16xf32>
      %parallel_loop3A_554 = arith.select %parallel_loop3A_551, %parallel_loop3A_548, %parallel_loop3A_539 : vector<16xi1>, vector<16xi32>
      %parallel_loop3A_555 = arith.select %parallel_loop3A_550, %parallel_loop3A_541, %parallel_loop3A_554 : vector<16xi1>, vector<16xi32>
      %parallel_loop3A_556 = arith.maximumf %parallel_loop3A_540, %parallel_loop3A_549 : vector<16xf32>
      %parallel_loop3A_557 = arith.select %parallel_loop3A_550, %parallel_loop3A_548, %parallel_loop3A_541 : vector<16xi1>, vector<16xi32>
      %parallel_loop3A_558 = tpu.iota {dimensions = array<i32: 0>} : vector<16xi32>
      %parallel_loop3A_559 = arith.constant 34 : i32
      %parallel_loop3A_560 = vector.broadcast %parallel_loop3A_559 : i32 to vector<16xi32>
      %parallel_loop3A_561 = arith.addi %parallel_loop3A_558, %parallel_loop3A_560 : vector<16xi32>
      %parallel_loop3A_562 = arith.constant 63 : i32
      %parallel_loop3A_563 = vector.broadcast %parallel_loop3A_562 : i32 to vector<16xi32>
      %parallel_loop3A_564 = arith.andi %parallel_loop3A_561, %parallel_loop3A_563 : vector<16xi32>
      %parallel_loop3A_565 = tpu.vector_load_idx %arg5[%parallel_loop3A_13, %parallel_loop3A_564] : memref<1024x64xf32, #tpu.memory_space<vmem>>[vector<16xi32>, vector<16xi32>], vector<16xf32>,
      %parallel_loop3A_566 = arith.cmpf ogt, %parallel_loop3A_565, %parallel_loop3A_556 : vector<16xf32>
      %parallel_loop3A_567 = arith.cmpf ogt, %parallel_loop3A_565, %parallel_loop3A_553 : vector<16xf32>
      %parallel_loop3A_568 = arith.minimumf %parallel_loop3A_565, %parallel_loop3A_556 : vector<16xf32>
      %parallel_loop3A_569 = arith.maximumf %parallel_loop3A_553, %parallel_loop3A_568 : vector<16xf32>
      %parallel_loop3A_570 = arith.select %parallel_loop3A_567, %parallel_loop3A_564, %parallel_loop3A_555 : vector<16xi1>, vector<16xi32>
      %parallel_loop3A_571 = arith.select %parallel_loop3A_566, %parallel_loop3A_557, %parallel_loop3A_570 : vector<16xi1>, vector<16xi32>
      %parallel_loop3A_572 = arith.maximumf %parallel_loop3A_556, %parallel_loop3A_565 : vector<16xf32>
      %parallel_loop3A_573 = arith.select %parallel_loop3A_566, %parallel_loop3A_564, %parallel_loop3A_557 : vector<16xi1>, vector<16xi32>
      %parallel_loop3A_574 = tpu.iota {dimensions = array<i32: 0>} : vector<16xi32>
      %parallel_loop3A_575 = arith.constant 35 : i32
      %parallel_loop3A_576 = vector.broadcast %parallel_loop3A_575 : i32 to vector<16xi32>
      %parallel_loop3A_577 = arith.addi %parallel_loop3A_574, %parallel_loop3A_576 : vector<16xi32>
      %parallel_loop3A_578 = arith.constant 63 : i32
      %parallel_loop3A_579 = vector.broadcast %parallel_loop3A_578 : i32 to vector<16xi32>
      %parallel_loop3A_580 = arith.andi %parallel_loop3A_577, %parallel_loop3A_579 : vector<16xi32>
      %parallel_loop3A_581 = tpu.vector_load_idx %arg5[%parallel_loop3A_13, %parallel_loop3A_580] : memref<1024x64xf32, #tpu.memory_space<vmem>>[vector<16xi32>, vector<16xi32>], vector<16xf32>,
      %parallel_loop3A_582 = arith.cmpf ogt, %parallel_loop3A_581, %parallel_loop3A_572 : vector<16xf32>
      %parallel_loop3A_583 = arith.cmpf ogt, %parallel_loop3A_581, %parallel_loop3A_569 : vector<16xf32>
      %parallel_loop3A_584 = arith.minimumf %parallel_loop3A_581, %parallel_loop3A_572 : vector<16xf32>
      %parallel_loop3A_585 = arith.maximumf %parallel_loop3A_569, %parallel_loop3A_584 : vector<16xf32>
      %parallel_loop3A_586 = arith.select %parallel_loop3A_583, %parallel_loop3A_580, %parallel_loop3A_571 : vector<16xi1>, vector<16xi32>
      %parallel_loop3A_587 = arith.select %parallel_loop3A_582, %parallel_loop3A_573, %parallel_loop3A_586 : vector<16xi1>, vector<16xi32>
      %parallel_loop3A_588 = arith.maximumf %parallel_loop3A_572, %parallel_loop3A_581 : vector<16xf32>
      %parallel_loop3A_589 = arith.select %parallel_loop3A_582, %parallel_loop3A_580, %parallel_loop3A_573 : vector<16xi1>, vector<16xi32>
      %parallel_loop3A_590 = tpu.iota {dimensions = array<i32: 0>} : vector<16xi32>
      %parallel_loop3A_591 = arith.constant 36 : i32
      %parallel_loop3A_592 = vector.broadcast %parallel_loop3A_591 : i32 to vector<16xi32>
      %parallel_loop3A_593 = arith.addi %parallel_loop3A_590, %parallel_loop3A_592 : vector<16xi32>
      %parallel_loop3A_594 = arith.constant 63 : i32
      %parallel_loop3A_595 = vector.broadcast %parallel_loop3A_594 : i32 to vector<16xi32>
      %parallel_loop3A_596 = arith.andi %parallel_loop3A_593, %parallel_loop3A_595 : vector<16xi32>
      %parallel_loop3A_597 = tpu.vector_load_idx %arg5[%parallel_loop3A_13, %parallel_loop3A_596] : memref<1024x64xf32, #tpu.memory_space<vmem>>[vector<16xi32>, vector<16xi32>], vector<16xf32>,
      %parallel_loop3A_598 = arith.cmpf ogt, %parallel_loop3A_597, %parallel_loop3A_588 : vector<16xf32>
      %parallel_loop3A_599 = arith.cmpf ogt, %parallel_loop3A_597, %parallel_loop3A_585 : vector<16xf32>
      %parallel_loop3A_600 = arith.minimumf %parallel_loop3A_597, %parallel_loop3A_588 : vector<16xf32>
      %parallel_loop3A_601 = arith.maximumf %parallel_loop3A_585, %parallel_loop3A_600 : vector<16xf32>
      %parallel_loop3A_602 = arith.select %parallel_loop3A_599, %parallel_loop3A_596, %parallel_loop3A_587 : vector<16xi1>, vector<16xi32>
      %parallel_loop3A_603 = arith.select %parallel_loop3A_598, %parallel_loop3A_589, %parallel_loop3A_602 : vector<16xi1>, vector<16xi32>
      %parallel_loop3A_604 = arith.maximumf %parallel_loop3A_588, %parallel_loop3A_597 : vector<16xf32>
      %parallel_loop3A_605 = arith.select %parallel_loop3A_598, %parallel_loop3A_596, %parallel_loop3A_589 : vector<16xi1>, vector<16xi32>
      %parallel_loop3A_606 = tpu.iota {dimensions = array<i32: 0>} : vector<16xi32>
      %parallel_loop3A_607 = arith.constant 37 : i32
      %parallel_loop3A_608 = vector.broadcast %parallel_loop3A_607 : i32 to vector<16xi32>
      %parallel_loop3A_609 = arith.addi %parallel_loop3A_606, %parallel_loop3A_608 : vector<16xi32>
      %parallel_loop3A_610 = arith.constant 63 : i32
      %parallel_loop3A_611 = vector.broadcast %parallel_loop3A_610 : i32 to vector<16xi32>
      %parallel_loop3A_612 = arith.andi %parallel_loop3A_609, %parallel_loop3A_611 : vector<16xi32>
      %parallel_loop3A_613 = tpu.vector_load_idx %arg5[%parallel_loop3A_13, %parallel_loop3A_612] : memref<1024x64xf32, #tpu.memory_space<vmem>>[vector<16xi32>, vector<16xi32>], vector<16xf32>,
      %parallel_loop3A_614 = arith.cmpf ogt, %parallel_loop3A_613, %parallel_loop3A_604 : vector<16xf32>
      %parallel_loop3A_615 = arith.cmpf ogt, %parallel_loop3A_613, %parallel_loop3A_601 : vector<16xf32>
      %parallel_loop3A_616 = arith.minimumf %parallel_loop3A_613, %parallel_loop3A_604 : vector<16xf32>
      %parallel_loop3A_617 = arith.maximumf %parallel_loop3A_601, %parallel_loop3A_616 : vector<16xf32>
      %parallel_loop3A_618 = arith.select %parallel_loop3A_615, %parallel_loop3A_612, %parallel_loop3A_603 : vector<16xi1>, vector<16xi32>
      %parallel_loop3A_619 = arith.select %parallel_loop3A_614, %parallel_loop3A_605, %parallel_loop3A_618 : vector<16xi1>, vector<16xi32>
      %parallel_loop3A_620 = arith.maximumf %parallel_loop3A_604, %parallel_loop3A_613 : vector<16xf32>
      %parallel_loop3A_621 = arith.select %parallel_loop3A_614, %parallel_loop3A_612, %parallel_loop3A_605 : vector<16xi1>, vector<16xi32>
      %parallel_loop3A_622 = tpu.iota {dimensions = array<i32: 0>} : vector<16xi32>
      %parallel_loop3A_623 = arith.constant 38 : i32
      %parallel_loop3A_624 = vector.broadcast %parallel_loop3A_623 : i32 to vector<16xi32>
      %parallel_loop3A_625 = arith.addi %parallel_loop3A_622, %parallel_loop3A_624 : vector<16xi32>
      %parallel_loop3A_626 = arith.constant 63 : i32
      %parallel_loop3A_627 = vector.broadcast %parallel_loop3A_626 : i32 to vector<16xi32>
      %parallel_loop3A_628 = arith.andi %parallel_loop3A_625, %parallel_loop3A_627 : vector<16xi32>
      %parallel_loop3A_629 = tpu.vector_load_idx %arg5[%parallel_loop3A_13, %parallel_loop3A_628] : memref<1024x64xf32, #tpu.memory_space<vmem>>[vector<16xi32>, vector<16xi32>], vector<16xf32>,
      %parallel_loop3A_630 = arith.cmpf ogt, %parallel_loop3A_629, %parallel_loop3A_620 : vector<16xf32>
      %parallel_loop3A_631 = arith.cmpf ogt, %parallel_loop3A_629, %parallel_loop3A_617 : vector<16xf32>
      %parallel_loop3A_632 = arith.minimumf %parallel_loop3A_629, %parallel_loop3A_620 : vector<16xf32>
      %parallel_loop3A_633 = arith.maximumf %parallel_loop3A_617, %parallel_loop3A_632 : vector<16xf32>
      %parallel_loop3A_634 = arith.select %parallel_loop3A_631, %parallel_loop3A_628, %parallel_loop3A_619 : vector<16xi1>, vector<16xi32>
      %parallel_loop3A_635 = arith.select %parallel_loop3A_630, %parallel_loop3A_621, %parallel_loop3A_634 : vector<16xi1>, vector<16xi32>
      %parallel_loop3A_636 = arith.maximumf %parallel_loop3A_620, %parallel_loop3A_629 : vector<16xf32>
      %parallel_loop3A_637 = arith.select %parallel_loop3A_630, %parallel_loop3A_628, %parallel_loop3A_621 : vector<16xi1>, vector<16xi32>
      %parallel_loop3A_638 = tpu.iota {dimensions = array<i32: 0>} : vector<16xi32>
      %parallel_loop3A_639 = arith.constant 39 : i32
      %parallel_loop3A_640 = vector.broadcast %parallel_loop3A_639 : i32 to vector<16xi32>
      %parallel_loop3A_641 = arith.addi %parallel_loop3A_638, %parallel_loop3A_640 : vector<16xi32>
      %parallel_loop3A_642 = arith.constant 63 : i32
      %parallel_loop3A_643 = vector.broadcast %parallel_loop3A_642 : i32 to vector<16xi32>
      %parallel_loop3A_644 = arith.andi %parallel_loop3A_641, %parallel_loop3A_643 : vector<16xi32>
      %parallel_loop3A_645 = tpu.vector_load_idx %arg5[%parallel_loop3A_13, %parallel_loop3A_644] : memref<1024x64xf32, #tpu.memory_space<vmem>>[vector<16xi32>, vector<16xi32>], vector<16xf32>,
      %parallel_loop3A_646 = arith.cmpf ogt, %parallel_loop3A_645, %parallel_loop3A_636 : vector<16xf32>
      %parallel_loop3A_647 = arith.cmpf ogt, %parallel_loop3A_645, %parallel_loop3A_633 : vector<16xf32>
      %parallel_loop3A_648 = arith.minimumf %parallel_loop3A_645, %parallel_loop3A_636 : vector<16xf32>
      %parallel_loop3A_649 = arith.maximumf %parallel_loop3A_633, %parallel_loop3A_648 : vector<16xf32>
      %parallel_loop3A_650 = arith.select %parallel_loop3A_647, %parallel_loop3A_644, %parallel_loop3A_635 : vector<16xi1>, vector<16xi32>
      %parallel_loop3A_651 = arith.select %parallel_loop3A_646, %parallel_loop3A_637, %parallel_loop3A_650 : vector<16xi1>, vector<16xi32>
      %parallel_loop3A_652 = arith.maximumf %parallel_loop3A_636, %parallel_loop3A_645 : vector<16xf32>
      %parallel_loop3A_653 = arith.select %parallel_loop3A_646, %parallel_loop3A_644, %parallel_loop3A_637 : vector<16xi1>, vector<16xi32>
      %parallel_loop3A_654 = tpu.iota {dimensions = array<i32: 0>} : vector<16xi32>
      %parallel_loop3A_655 = arith.constant 40 : i32
      %parallel_loop3A_656 = vector.broadcast %parallel_loop3A_655 : i32 to vector<16xi32>
      %parallel_loop3A_657 = arith.addi %parallel_loop3A_654, %parallel_loop3A_656 : vector<16xi32>
      %parallel_loop3A_658 = arith.constant 63 : i32
      %parallel_loop3A_659 = vector.broadcast %parallel_loop3A_658 : i32 to vector<16xi32>
      %parallel_loop3A_660 = arith.andi %parallel_loop3A_657, %parallel_loop3A_659 : vector<16xi32>
      %parallel_loop3A_661 = tpu.vector_load_idx %arg5[%parallel_loop3A_13, %parallel_loop3A_660] : memref<1024x64xf32, #tpu.memory_space<vmem>>[vector<16xi32>, vector<16xi32>], vector<16xf32>,
      %parallel_loop3A_662 = arith.cmpf ogt, %parallel_loop3A_661, %parallel_loop3A_652 : vector<16xf32>
      %parallel_loop3A_663 = arith.cmpf ogt, %parallel_loop3A_661, %parallel_loop3A_649 : vector<16xf32>
      %parallel_loop3A_664 = arith.minimumf %parallel_loop3A_661, %parallel_loop3A_652 : vector<16xf32>
      %parallel_loop3A_665 = arith.maximumf %parallel_loop3A_649, %parallel_loop3A_664 : vector<16xf32>
      %parallel_loop3A_666 = arith.select %parallel_loop3A_663, %parallel_loop3A_660, %parallel_loop3A_651 : vector<16xi1>, vector<16xi32>
      %parallel_loop3A_667 = arith.select %parallel_loop3A_662, %parallel_loop3A_653, %parallel_loop3A_666 : vector<16xi1>, vector<16xi32>
      %parallel_loop3A_668 = arith.maximumf %parallel_loop3A_652, %parallel_loop3A_661 : vector<16xf32>
      %parallel_loop3A_669 = arith.select %parallel_loop3A_662, %parallel_loop3A_660, %parallel_loop3A_653 : vector<16xi1>, vector<16xi32>
      %parallel_loop3A_670 = tpu.iota {dimensions = array<i32: 0>} : vector<16xi32>
      %parallel_loop3A_671 = arith.constant 41 : i32
      %parallel_loop3A_672 = vector.broadcast %parallel_loop3A_671 : i32 to vector<16xi32>
      %parallel_loop3A_673 = arith.addi %parallel_loop3A_670, %parallel_loop3A_672 : vector<16xi32>
      %parallel_loop3A_674 = arith.constant 63 : i32
      %parallel_loop3A_675 = vector.broadcast %parallel_loop3A_674 : i32 to vector<16xi32>
      %parallel_loop3A_676 = arith.andi %parallel_loop3A_673, %parallel_loop3A_675 : vector<16xi32>
      %parallel_loop3A_677 = tpu.vector_load_idx %arg5[%parallel_loop3A_13, %parallel_loop3A_676] : memref<1024x64xf32, #tpu.memory_space<vmem>>[vector<16xi32>, vector<16xi32>], vector<16xf32>,
      %parallel_loop3A_678 = arith.cmpf ogt, %parallel_loop3A_677, %parallel_loop3A_668 : vector<16xf32>
      %parallel_loop3A_679 = arith.cmpf ogt, %parallel_loop3A_677, %parallel_loop3A_665 : vector<16xf32>
      %parallel_loop3A_680 = arith.minimumf %parallel_loop3A_677, %parallel_loop3A_668 : vector<16xf32>
      %parallel_loop3A_681 = arith.maximumf %parallel_loop3A_665, %parallel_loop3A_680 : vector<16xf32>
      %parallel_loop3A_682 = arith.select %parallel_loop3A_679, %parallel_loop3A_676, %parallel_loop3A_667 : vector<16xi1>, vector<16xi32>
      %parallel_loop3A_683 = arith.select %parallel_loop3A_678, %parallel_loop3A_669, %parallel_loop3A_682 : vector<16xi1>, vector<16xi32>
      %parallel_loop3A_684 = arith.maximumf %parallel_loop3A_668, %parallel_loop3A_677 : vector<16xf32>
      %parallel_loop3A_685 = arith.select %parallel_loop3A_678, %parallel_loop3A_676, %parallel_loop3A_669 : vector<16xi1>, vector<16xi32>
      %parallel_loop3A_686 = tpu.iota {dimensions = array<i32: 0>} : vector<16xi32>
      %parallel_loop3A_687 = arith.constant 42 : i32
      %parallel_loop3A_688 = vector.broadcast %parallel_loop3A_687 : i32 to vector<16xi32>
      %parallel_loop3A_689 = arith.addi %parallel_loop3A_686, %parallel_loop3A_688 : vector<16xi32>
      %parallel_loop3A_690 = arith.constant 63 : i32
      %parallel_loop3A_691 = vector.broadcast %parallel_loop3A_690 : i32 to vector<16xi32>
      %parallel_loop3A_692 = arith.andi %parallel_loop3A_689, %parallel_loop3A_691 : vector<16xi32>
      %parallel_loop3A_693 = tpu.vector_load_idx %arg5[%parallel_loop3A_13, %parallel_loop3A_692] : memref<1024x64xf32, #tpu.memory_space<vmem>>[vector<16xi32>, vector<16xi32>], vector<16xf32>,
      %parallel_loop3A_694 = arith.cmpf ogt, %parallel_loop3A_693, %parallel_loop3A_684 : vector<16xf32>
      %parallel_loop3A_695 = arith.cmpf ogt, %parallel_loop3A_693, %parallel_loop3A_681 : vector<16xf32>
      %parallel_loop3A_696 = arith.minimumf %parallel_loop3A_693, %parallel_loop3A_684 : vector<16xf32>
      %parallel_loop3A_697 = arith.maximumf %parallel_loop3A_681, %parallel_loop3A_696 : vector<16xf32>
      %parallel_loop3A_698 = arith.select %parallel_loop3A_695, %parallel_loop3A_692, %parallel_loop3A_683 : vector<16xi1>, vector<16xi32>
      %parallel_loop3A_699 = arith.select %parallel_loop3A_694, %parallel_loop3A_685, %parallel_loop3A_698 : vector<16xi1>, vector<16xi32>
      %parallel_loop3A_700 = arith.maximumf %parallel_loop3A_684, %parallel_loop3A_693 : vector<16xf32>
      %parallel_loop3A_701 = arith.select %parallel_loop3A_694, %parallel_loop3A_692, %parallel_loop3A_685 : vector<16xi1>, vector<16xi32>
      %parallel_loop3A_702 = tpu.iota {dimensions = array<i32: 0>} : vector<16xi32>
      %parallel_loop3A_703 = arith.constant 43 : i32
      %parallel_loop3A_704 = vector.broadcast %parallel_loop3A_703 : i32 to vector<16xi32>
      %parallel_loop3A_705 = arith.addi %parallel_loop3A_702, %parallel_loop3A_704 : vector<16xi32>
      %parallel_loop3A_706 = arith.constant 63 : i32
      %parallel_loop3A_707 = vector.broadcast %parallel_loop3A_706 : i32 to vector<16xi32>
      %parallel_loop3A_708 = arith.andi %parallel_loop3A_705, %parallel_loop3A_707 : vector<16xi32>
      %parallel_loop3A_709 = tpu.vector_load_idx %arg5[%parallel_loop3A_13, %parallel_loop3A_708] : memref<1024x64xf32, #tpu.memory_space<vmem>>[vector<16xi32>, vector<16xi32>], vector<16xf32>,
      %parallel_loop3A_710 = arith.cmpf ogt, %parallel_loop3A_709, %parallel_loop3A_700 : vector<16xf32>
      %parallel_loop3A_711 = arith.cmpf ogt, %parallel_loop3A_709, %parallel_loop3A_697 : vector<16xf32>
      %parallel_loop3A_712 = arith.minimumf %parallel_loop3A_709, %parallel_loop3A_700 : vector<16xf32>
      %parallel_loop3A_713 = arith.maximumf %parallel_loop3A_697, %parallel_loop3A_712 : vector<16xf32>
      %parallel_loop3A_714 = arith.select %parallel_loop3A_711, %parallel_loop3A_708, %parallel_loop3A_699 : vector<16xi1>, vector<16xi32>
      %parallel_loop3A_715 = arith.select %parallel_loop3A_710, %parallel_loop3A_701, %parallel_loop3A_714 : vector<16xi1>, vector<16xi32>
      %parallel_loop3A_716 = arith.maximumf %parallel_loop3A_700, %parallel_loop3A_709 : vector<16xf32>
      %parallel_loop3A_717 = arith.select %parallel_loop3A_710, %parallel_loop3A_708, %parallel_loop3A_701 : vector<16xi1>, vector<16xi32>
      %parallel_loop3A_718 = tpu.iota {dimensions = array<i32: 0>} : vector<16xi32>
      %parallel_loop3A_719 = arith.constant 44 : i32
      %parallel_loop3A_720 = vector.broadcast %parallel_loop3A_719 : i32 to vector<16xi32>
      %parallel_loop3A_721 = arith.addi %parallel_loop3A_718, %parallel_loop3A_720 : vector<16xi32>
      %parallel_loop3A_722 = arith.constant 63 : i32
      %parallel_loop3A_723 = vector.broadcast %parallel_loop3A_722 : i32 to vector<16xi32>
      %parallel_loop3A_724 = arith.andi %parallel_loop3A_721, %parallel_loop3A_723 : vector<16xi32>
      %parallel_loop3A_725 = tpu.vector_load_idx %arg5[%parallel_loop3A_13, %parallel_loop3A_724] : memref<1024x64xf32, #tpu.memory_space<vmem>>[vector<16xi32>, vector<16xi32>], vector<16xf32>,
      %parallel_loop3A_726 = arith.cmpf ogt, %parallel_loop3A_725, %parallel_loop3A_716 : vector<16xf32>
      %parallel_loop3A_727 = arith.cmpf ogt, %parallel_loop3A_725, %parallel_loop3A_713 : vector<16xf32>
      %parallel_loop3A_728 = arith.minimumf %parallel_loop3A_725, %parallel_loop3A_716 : vector<16xf32>
      %parallel_loop3A_729 = arith.maximumf %parallel_loop3A_713, %parallel_loop3A_728 : vector<16xf32>
      %parallel_loop3A_730 = arith.select %parallel_loop3A_727, %parallel_loop3A_724, %parallel_loop3A_715 : vector<16xi1>, vector<16xi32>
      %parallel_loop3A_731 = arith.select %parallel_loop3A_726, %parallel_loop3A_717, %parallel_loop3A_730 : vector<16xi1>, vector<16xi32>
      %parallel_loop3A_732 = arith.maximumf %parallel_loop3A_716, %parallel_loop3A_725 : vector<16xf32>
      %parallel_loop3A_733 = arith.select %parallel_loop3A_726, %parallel_loop3A_724, %parallel_loop3A_717 : vector<16xi1>, vector<16xi32>
      %parallel_loop3A_734 = tpu.iota {dimensions = array<i32: 0>} : vector<16xi32>
      %parallel_loop3A_735 = arith.constant 45 : i32
      %parallel_loop3A_736 = vector.broadcast %parallel_loop3A_735 : i32 to vector<16xi32>
      %parallel_loop3A_737 = arith.addi %parallel_loop3A_734, %parallel_loop3A_736 : vector<16xi32>
      %parallel_loop3A_738 = arith.constant 63 : i32
      %parallel_loop3A_739 = vector.broadcast %parallel_loop3A_738 : i32 to vector<16xi32>
      %parallel_loop3A_740 = arith.andi %parallel_loop3A_737, %parallel_loop3A_739 : vector<16xi32>
      %parallel_loop3A_741 = tpu.vector_load_idx %arg5[%parallel_loop3A_13, %parallel_loop3A_740] : memref<1024x64xf32, #tpu.memory_space<vmem>>[vector<16xi32>, vector<16xi32>], vector<16xf32>,
      %parallel_loop3A_742 = arith.cmpf ogt, %parallel_loop3A_741, %parallel_loop3A_732 : vector<16xf32>
      %parallel_loop3A_743 = arith.cmpf ogt, %parallel_loop3A_741, %parallel_loop3A_729 : vector<16xf32>
      %parallel_loop3A_744 = arith.minimumf %parallel_loop3A_741, %parallel_loop3A_732 : vector<16xf32>
      %parallel_loop3A_745 = arith.maximumf %parallel_loop3A_729, %parallel_loop3A_744 : vector<16xf32>
      %parallel_loop3A_746 = arith.select %parallel_loop3A_743, %parallel_loop3A_740, %parallel_loop3A_731 : vector<16xi1>, vector<16xi32>
      %parallel_loop3A_747 = arith.select %parallel_loop3A_742, %parallel_loop3A_733, %parallel_loop3A_746 : vector<16xi1>, vector<16xi32>
      %parallel_loop3A_748 = arith.maximumf %parallel_loop3A_732, %parallel_loop3A_741 : vector<16xf32>
      %parallel_loop3A_749 = arith.select %parallel_loop3A_742, %parallel_loop3A_740, %parallel_loop3A_733 : vector<16xi1>, vector<16xi32>
      %parallel_loop3A_750 = tpu.iota {dimensions = array<i32: 0>} : vector<16xi32>
      %parallel_loop3A_751 = arith.constant 46 : i32
      %parallel_loop3A_752 = vector.broadcast %parallel_loop3A_751 : i32 to vector<16xi32>
      %parallel_loop3A_753 = arith.addi %parallel_loop3A_750, %parallel_loop3A_752 : vector<16xi32>
      %parallel_loop3A_754 = arith.constant 63 : i32
      %parallel_loop3A_755 = vector.broadcast %parallel_loop3A_754 : i32 to vector<16xi32>
      %parallel_loop3A_756 = arith.andi %parallel_loop3A_753, %parallel_loop3A_755 : vector<16xi32>
      %parallel_loop3A_757 = tpu.vector_load_idx %arg5[%parallel_loop3A_13, %parallel_loop3A_756] : memref<1024x64xf32, #tpu.memory_space<vmem>>[vector<16xi32>, vector<16xi32>], vector<16xf32>,
      %parallel_loop3A_758 = arith.cmpf ogt, %parallel_loop3A_757, %parallel_loop3A_748 : vector<16xf32>
      %parallel_loop3A_759 = arith.cmpf ogt, %parallel_loop3A_757, %parallel_loop3A_745 : vector<16xf32>
      %parallel_loop3A_760 = arith.minimumf %parallel_loop3A_757, %parallel_loop3A_748 : vector<16xf32>
      %parallel_loop3A_761 = arith.maximumf %parallel_loop3A_745, %parallel_loop3A_760 : vector<16xf32>
      %parallel_loop3A_762 = arith.select %parallel_loop3A_759, %parallel_loop3A_756, %parallel_loop3A_747 : vector<16xi1>, vector<16xi32>
      %parallel_loop3A_763 = arith.select %parallel_loop3A_758, %parallel_loop3A_749, %parallel_loop3A_762 : vector<16xi1>, vector<16xi32>
      %parallel_loop3A_764 = arith.maximumf %parallel_loop3A_748, %parallel_loop3A_757 : vector<16xf32>
      %parallel_loop3A_765 = arith.select %parallel_loop3A_758, %parallel_loop3A_756, %parallel_loop3A_749 : vector<16xi1>, vector<16xi32>
      %parallel_loop3A_766 = tpu.iota {dimensions = array<i32: 0>} : vector<16xi32>
      %parallel_loop3A_767 = arith.constant 47 : i32
      %parallel_loop3A_768 = vector.broadcast %parallel_loop3A_767 : i32 to vector<16xi32>
      %parallel_loop3A_769 = arith.addi %parallel_loop3A_766, %parallel_loop3A_768 : vector<16xi32>
      %parallel_loop3A_770 = arith.constant 63 : i32
      %parallel_loop3A_771 = vector.broadcast %parallel_loop3A_770 : i32 to vector<16xi32>
      %parallel_loop3A_772 = arith.andi %parallel_loop3A_769, %parallel_loop3A_771 : vector<16xi32>
      %parallel_loop3A_773 = tpu.vector_load_idx %arg5[%parallel_loop3A_13, %parallel_loop3A_772] : memref<1024x64xf32, #tpu.memory_space<vmem>>[vector<16xi32>, vector<16xi32>], vector<16xf32>,
      %parallel_loop3A_774 = arith.cmpf ogt, %parallel_loop3A_773, %parallel_loop3A_764 : vector<16xf32>
      %parallel_loop3A_775 = arith.cmpf ogt, %parallel_loop3A_773, %parallel_loop3A_761 : vector<16xf32>
      %parallel_loop3A_776 = arith.minimumf %parallel_loop3A_773, %parallel_loop3A_764 : vector<16xf32>
      %parallel_loop3A_777 = arith.maximumf %parallel_loop3A_761, %parallel_loop3A_776 : vector<16xf32>
      %parallel_loop3A_778 = arith.select %parallel_loop3A_775, %parallel_loop3A_772, %parallel_loop3A_763 : vector<16xi1>, vector<16xi32>
      %parallel_loop3A_779 = arith.select %parallel_loop3A_774, %parallel_loop3A_765, %parallel_loop3A_778 : vector<16xi1>, vector<16xi32>
      %parallel_loop3A_780 = arith.maximumf %parallel_loop3A_764, %parallel_loop3A_773 : vector<16xf32>
      %parallel_loop3A_781 = arith.select %parallel_loop3A_774, %parallel_loop3A_772, %parallel_loop3A_765 : vector<16xi1>, vector<16xi32>
      %parallel_loop3A_782 = tpu.iota {dimensions = array<i32: 0>} : vector<16xi32>
      %parallel_loop3A_783 = arith.constant 48 : i32
      %parallel_loop3A_784 = vector.broadcast %parallel_loop3A_783 : i32 to vector<16xi32>
      %parallel_loop3A_785 = arith.addi %parallel_loop3A_782, %parallel_loop3A_784 : vector<16xi32>
      %parallel_loop3A_786 = arith.constant 63 : i32
      %parallel_loop3A_787 = vector.broadcast %parallel_loop3A_786 : i32 to vector<16xi32>
      %parallel_loop3A_788 = arith.andi %parallel_loop3A_785, %parallel_loop3A_787 : vector<16xi32>
      %parallel_loop3A_789 = tpu.vector_load_idx %arg5[%parallel_loop3A_13, %parallel_loop3A_788] : memref<1024x64xf32, #tpu.memory_space<vmem>>[vector<16xi32>, vector<16xi32>], vector<16xf32>,
      %parallel_loop3A_790 = arith.cmpf ogt, %parallel_loop3A_789, %broadcast_in_dim3A_5 : vector<16xf32>
      %parallel_loop3A_791 = arith.cmpf ogt, %parallel_loop3A_789, %broadcast_in_dim3A_5 : vector<16xf32>
      %parallel_loop3A_792 = arith.minimumf %parallel_loop3A_789, %broadcast_in_dim3A_5 : vector<16xf32>
      %parallel_loop3A_793 = arith.maximumf %broadcast_in_dim3A_5, %parallel_loop3A_792 : vector<16xf32>
      %parallel_loop3A_794 = arith.select %parallel_loop3A_791, %parallel_loop3A_788, %broadcast_in_dim3A_3 : vector<16xi1>, vector<16xi32>
      %parallel_loop3A_795 = arith.select %parallel_loop3A_790, %broadcast_in_dim3A_3, %parallel_loop3A_794 : vector<16xi1>, vector<16xi32>
      %parallel_loop3A_796 = arith.maximumf %broadcast_in_dim3A_5, %parallel_loop3A_789 : vector<16xf32>
      %parallel_loop3A_797 = arith.select %parallel_loop3A_790, %parallel_loop3A_788, %broadcast_in_dim3A_3 : vector<16xi1>, vector<16xi32>
      %parallel_loop3A_798 = tpu.iota {dimensions = array<i32: 0>} : vector<16xi32>
      %parallel_loop3A_799 = arith.constant 49 : i32
      %parallel_loop3A_800 = vector.broadcast %parallel_loop3A_799 : i32 to vector<16xi32>
      %parallel_loop3A_801 = arith.addi %parallel_loop3A_798, %parallel_loop3A_800 : vector<16xi32>
      %parallel_loop3A_802 = arith.constant 63 : i32
      %parallel_loop3A_803 = vector.broadcast %parallel_loop3A_802 : i32 to vector<16xi32>
      %parallel_loop3A_804 = arith.andi %parallel_loop3A_801, %parallel_loop3A_803 : vector<16xi32>
      %parallel_loop3A_805 = tpu.vector_load_idx %arg5[%parallel_loop3A_13, %parallel_loop3A_804] : memref<1024x64xf32, #tpu.memory_space<vmem>>[vector<16xi32>, vector<16xi32>], vector<16xf32>,
      %parallel_loop3A_806 = arith.cmpf ogt, %parallel_loop3A_805, %parallel_loop3A_796 : vector<16xf32>
      %parallel_loop3A_807 = arith.cmpf ogt, %parallel_loop3A_805, %parallel_loop3A_793 : vector<16xf32>
      %parallel_loop3A_808 = arith.minimumf %parallel_loop3A_805, %parallel_loop3A_796 : vector<16xf32>
      %parallel_loop3A_809 = arith.maximumf %parallel_loop3A_793, %parallel_loop3A_808 : vector<16xf32>
      %parallel_loop3A_810 = arith.select %parallel_loop3A_807, %parallel_loop3A_804, %parallel_loop3A_795 : vector<16xi1>, vector<16xi32>
      %parallel_loop3A_811 = arith.select %parallel_loop3A_806, %parallel_loop3A_797, %parallel_loop3A_810 : vector<16xi1>, vector<16xi32>
      %parallel_loop3A_812 = arith.maximumf %parallel_loop3A_796, %parallel_loop3A_805 : vector<16xf32>
      %parallel_loop3A_813 = arith.select %parallel_loop3A_806, %parallel_loop3A_804, %parallel_loop3A_797 : vector<16xi1>, vector<16xi32>
      %parallel_loop3A_814 = tpu.iota {dimensions = array<i32: 0>} : vector<16xi32>
      %parallel_loop3A_815 = arith.constant 50 : i32
      %parallel_loop3A_816 = vector.broadcast %parallel_loop3A_815 : i32 to vector<16xi32>
      %parallel_loop3A_817 = arith.addi %parallel_loop3A_814, %parallel_loop3A_816 : vector<16xi32>
      %parallel_loop3A_818 = arith.constant 63 : i32
      %parallel_loop3A_819 = vector.broadcast %parallel_loop3A_818 : i32 to vector<16xi32>
      %parallel_loop3A_820 = arith.andi %parallel_loop3A_817, %parallel_loop3A_819 : vector<16xi32>
      %parallel_loop3A_821 = tpu.vector_load_idx %arg5[%parallel_loop3A_13, %parallel_loop3A_820] : memref<1024x64xf32, #tpu.memory_space<vmem>>[vector<16xi32>, vector<16xi32>], vector<16xf32>,
      %parallel_loop3A_822 = arith.cmpf ogt, %parallel_loop3A_821, %parallel_loop3A_812 : vector<16xf32>
      %parallel_loop3A_823 = arith.cmpf ogt, %parallel_loop3A_821, %parallel_loop3A_809 : vector<16xf32>
      %parallel_loop3A_824 = arith.minimumf %parallel_loop3A_821, %parallel_loop3A_812 : vector<16xf32>
      %parallel_loop3A_825 = arith.maximumf %parallel_loop3A_809, %parallel_loop3A_824 : vector<16xf32>
      %parallel_loop3A_826 = arith.select %parallel_loop3A_823, %parallel_loop3A_820, %parallel_loop3A_811 : vector<16xi1>, vector<16xi32>
      %parallel_loop3A_827 = arith.select %parallel_loop3A_822, %parallel_loop3A_813, %parallel_loop3A_826 : vector<16xi1>, vector<16xi32>
      %parallel_loop3A_828 = arith.maximumf %parallel_loop3A_812, %parallel_loop3A_821 : vector<16xf32>
      %parallel_loop3A_829 = arith.select %parallel_loop3A_822, %parallel_loop3A_820, %parallel_loop3A_813 : vector<16xi1>, vector<16xi32>
      %parallel_loop3A_830 = tpu.iota {dimensions = array<i32: 0>} : vector<16xi32>
      %parallel_loop3A_831 = arith.constant 51 : i32
      %parallel_loop3A_832 = vector.broadcast %parallel_loop3A_831 : i32 to vector<16xi32>
      %parallel_loop3A_833 = arith.addi %parallel_loop3A_830, %parallel_loop3A_832 : vector<16xi32>
      %parallel_loop3A_834 = arith.constant 63 : i32
      %parallel_loop3A_835 = vector.broadcast %parallel_loop3A_834 : i32 to vector<16xi32>
      %parallel_loop3A_836 = arith.andi %parallel_loop3A_833, %parallel_loop3A_835 : vector<16xi32>
      %parallel_loop3A_837 = tpu.vector_load_idx %arg5[%parallel_loop3A_13, %parallel_loop3A_836] : memref<1024x64xf32, #tpu.memory_space<vmem>>[vector<16xi32>, vector<16xi32>], vector<16xf32>,
      %parallel_loop3A_838 = arith.cmpf ogt, %parallel_loop3A_837, %parallel_loop3A_828 : vector<16xf32>
      %parallel_loop3A_839 = arith.cmpf ogt, %parallel_loop3A_837, %parallel_loop3A_825 : vector<16xf32>
      %parallel_loop3A_840 = arith.minimumf %parallel_loop3A_837, %parallel_loop3A_828 : vector<16xf32>
      %parallel_loop3A_841 = arith.maximumf %parallel_loop3A_825, %parallel_loop3A_840 : vector<16xf32>
      %parallel_loop3A_842 = arith.select %parallel_loop3A_839, %parallel_loop3A_836, %parallel_loop3A_827 : vector<16xi1>, vector<16xi32>
      %parallel_loop3A_843 = arith.select %parallel_loop3A_838, %parallel_loop3A_829, %parallel_loop3A_842 : vector<16xi1>, vector<16xi32>
      %parallel_loop3A_844 = arith.maximumf %parallel_loop3A_828, %parallel_loop3A_837 : vector<16xf32>
      %parallel_loop3A_845 = arith.select %parallel_loop3A_838, %parallel_loop3A_836, %parallel_loop3A_829 : vector<16xi1>, vector<16xi32>
      %parallel_loop3A_846 = tpu.iota {dimensions = array<i32: 0>} : vector<16xi32>
      %parallel_loop3A_847 = arith.constant 52 : i32
      %parallel_loop3A_848 = vector.broadcast %parallel_loop3A_847 : i32 to vector<16xi32>
      %parallel_loop3A_849 = arith.addi %parallel_loop3A_846, %parallel_loop3A_848 : vector<16xi32>
      %parallel_loop3A_850 = arith.constant 63 : i32
      %parallel_loop3A_851 = vector.broadcast %parallel_loop3A_850 : i32 to vector<16xi32>
      %parallel_loop3A_852 = arith.andi %parallel_loop3A_849, %parallel_loop3A_851 : vector<16xi32>
      %parallel_loop3A_853 = tpu.vector_load_idx %arg5[%parallel_loop3A_13, %parallel_loop3A_852] : memref<1024x64xf32, #tpu.memory_space<vmem>>[vector<16xi32>, vector<16xi32>], vector<16xf32>,
      %parallel_loop3A_854 = arith.cmpf ogt, %parallel_loop3A_853, %parallel_loop3A_844 : vector<16xf32>
      %parallel_loop3A_855 = arith.cmpf ogt, %parallel_loop3A_853, %parallel_loop3A_841 : vector<16xf32>
      %parallel_loop3A_856 = arith.minimumf %parallel_loop3A_853, %parallel_loop3A_844 : vector<16xf32>
      %parallel_loop3A_857 = arith.maximumf %parallel_loop3A_841, %parallel_loop3A_856 : vector<16xf32>
      %parallel_loop3A_858 = arith.select %parallel_loop3A_855, %parallel_loop3A_852, %parallel_loop3A_843 : vector<16xi1>, vector<16xi32>
      %parallel_loop3A_859 = arith.select %parallel_loop3A_854, %parallel_loop3A_845, %parallel_loop3A_858 : vector<16xi1>, vector<16xi32>
      %parallel_loop3A_860 = arith.maximumf %parallel_loop3A_844, %parallel_loop3A_853 : vector<16xf32>
      %parallel_loop3A_861 = arith.select %parallel_loop3A_854, %parallel_loop3A_852, %parallel_loop3A_845 : vector<16xi1>, vector<16xi32>
      %parallel_loop3A_862 = tpu.iota {dimensions = array<i32: 0>} : vector<16xi32>
      %parallel_loop3A_863 = arith.constant 53 : i32
      %parallel_loop3A_864 = vector.broadcast %parallel_loop3A_863 : i32 to vector<16xi32>
      %parallel_loop3A_865 = arith.addi %parallel_loop3A_862, %parallel_loop3A_864 : vector<16xi32>
      %parallel_loop3A_866 = arith.constant 63 : i32
      %parallel_loop3A_867 = vector.broadcast %parallel_loop3A_866 : i32 to vector<16xi32>
      %parallel_loop3A_868 = arith.andi %parallel_loop3A_865, %parallel_loop3A_867 : vector<16xi32>
      %parallel_loop3A_869 = tpu.vector_load_idx %arg5[%parallel_loop3A_13, %parallel_loop3A_868] : memref<1024x64xf32, #tpu.memory_space<vmem>>[vector<16xi32>, vector<16xi32>], vector<16xf32>,
      %parallel_loop3A_870 = arith.cmpf ogt, %parallel_loop3A_869, %parallel_loop3A_860 : vector<16xf32>
      %parallel_loop3A_871 = arith.cmpf ogt, %parallel_loop3A_869, %parallel_loop3A_857 : vector<16xf32>
      %parallel_loop3A_872 = arith.minimumf %parallel_loop3A_869, %parallel_loop3A_860 : vector<16xf32>
      %parallel_loop3A_873 = arith.maximumf %parallel_loop3A_857, %parallel_loop3A_872 : vector<16xf32>
      %parallel_loop3A_874 = arith.select %parallel_loop3A_871, %parallel_loop3A_868, %parallel_loop3A_859 : vector<16xi1>, vector<16xi32>
      %parallel_loop3A_875 = arith.select %parallel_loop3A_870, %parallel_loop3A_861, %parallel_loop3A_874 : vector<16xi1>, vector<16xi32>
      %parallel_loop3A_876 = arith.maximumf %parallel_loop3A_860, %parallel_loop3A_869 : vector<16xf32>
      %parallel_loop3A_877 = arith.select %parallel_loop3A_870, %parallel_loop3A_868, %parallel_loop3A_861 : vector<16xi1>, vector<16xi32>
      %parallel_loop3A_878 = tpu.iota {dimensions = array<i32: 0>} : vector<16xi32>
      %parallel_loop3A_879 = arith.constant 54 : i32
      %parallel_loop3A_880 = vector.broadcast %parallel_loop3A_879 : i32 to vector<16xi32>
      %parallel_loop3A_881 = arith.addi %parallel_loop3A_878, %parallel_loop3A_880 : vector<16xi32>
      %parallel_loop3A_882 = arith.constant 63 : i32
      %parallel_loop3A_883 = vector.broadcast %parallel_loop3A_882 : i32 to vector<16xi32>
      %parallel_loop3A_884 = arith.andi %parallel_loop3A_881, %parallel_loop3A_883 : vector<16xi32>
      %parallel_loop3A_885 = tpu.vector_load_idx %arg5[%parallel_loop3A_13, %parallel_loop3A_884] : memref<1024x64xf32, #tpu.memory_space<vmem>>[vector<16xi32>, vector<16xi32>], vector<16xf32>,
      %parallel_loop3A_886 = arith.cmpf ogt, %parallel_loop3A_885, %parallel_loop3A_876 : vector<16xf32>
      %parallel_loop3A_887 = arith.cmpf ogt, %parallel_loop3A_885, %parallel_loop3A_873 : vector<16xf32>
      %parallel_loop3A_888 = arith.minimumf %parallel_loop3A_885, %parallel_loop3A_876 : vector<16xf32>
      %parallel_loop3A_889 = arith.maximumf %parallel_loop3A_873, %parallel_loop3A_888 : vector<16xf32>
      %parallel_loop3A_890 = arith.select %parallel_loop3A_887, %parallel_loop3A_884, %parallel_loop3A_875 : vector<16xi1>, vector<16xi32>
      %parallel_loop3A_891 = arith.select %parallel_loop3A_886, %parallel_loop3A_877, %parallel_loop3A_890 : vector<16xi1>, vector<16xi32>
      %parallel_loop3A_892 = arith.maximumf %parallel_loop3A_876, %parallel_loop3A_885 : vector<16xf32>
      %parallel_loop3A_893 = arith.select %parallel_loop3A_886, %parallel_loop3A_884, %parallel_loop3A_877 : vector<16xi1>, vector<16xi32>
      %parallel_loop3A_894 = tpu.iota {dimensions = array<i32: 0>} : vector<16xi32>
      %parallel_loop3A_895 = arith.constant 55 : i32
      %parallel_loop3A_896 = vector.broadcast %parallel_loop3A_895 : i32 to vector<16xi32>
      %parallel_loop3A_897 = arith.addi %parallel_loop3A_894, %parallel_loop3A_896 : vector<16xi32>
      %parallel_loop3A_898 = arith.constant 63 : i32
      %parallel_loop3A_899 = vector.broadcast %parallel_loop3A_898 : i32 to vector<16xi32>
      %parallel_loop3A_900 = arith.andi %parallel_loop3A_897, %parallel_loop3A_899 : vector<16xi32>
      %parallel_loop3A_901 = tpu.vector_load_idx %arg5[%parallel_loop3A_13, %parallel_loop3A_900] : memref<1024x64xf32, #tpu.memory_space<vmem>>[vector<16xi32>, vector<16xi32>], vector<16xf32>,
      %parallel_loop3A_902 = arith.cmpf ogt, %parallel_loop3A_901, %parallel_loop3A_892 : vector<16xf32>
      %parallel_loop3A_903 = arith.cmpf ogt, %parallel_loop3A_901, %parallel_loop3A_889 : vector<16xf32>
      %parallel_loop3A_904 = arith.minimumf %parallel_loop3A_901, %parallel_loop3A_892 : vector<16xf32>
      %parallel_loop3A_905 = arith.maximumf %parallel_loop3A_889, %parallel_loop3A_904 : vector<16xf32>
      %parallel_loop3A_906 = arith.select %parallel_loop3A_903, %parallel_loop3A_900, %parallel_loop3A_891 : vector<16xi1>, vector<16xi32>
      %parallel_loop3A_907 = arith.select %parallel_loop3A_902, %parallel_loop3A_893, %parallel_loop3A_906 : vector<16xi1>, vector<16xi32>
      %parallel_loop3A_908 = arith.maximumf %parallel_loop3A_892, %parallel_loop3A_901 : vector<16xf32>
      %parallel_loop3A_909 = arith.select %parallel_loop3A_902, %parallel_loop3A_900, %parallel_loop3A_893 : vector<16xi1>, vector<16xi32>
      %parallel_loop3A_910 = tpu.iota {dimensions = array<i32: 0>} : vector<16xi32>
      %parallel_loop3A_911 = arith.constant 56 : i32
      %parallel_loop3A_912 = vector.broadcast %parallel_loop3A_911 : i32 to vector<16xi32>
      %parallel_loop3A_913 = arith.addi %parallel_loop3A_910, %parallel_loop3A_912 : vector<16xi32>
      %parallel_loop3A_914 = arith.constant 63 : i32
      %parallel_loop3A_915 = vector.broadcast %parallel_loop3A_914 : i32 to vector<16xi32>
      %parallel_loop3A_916 = arith.andi %parallel_loop3A_913, %parallel_loop3A_915 : vector<16xi32>
      %parallel_loop3A_917 = tpu.vector_load_idx %arg5[%parallel_loop3A_13, %parallel_loop3A_916] : memref<1024x64xf32, #tpu.memory_space<vmem>>[vector<16xi32>, vector<16xi32>], vector<16xf32>,
      %parallel_loop3A_918 = arith.cmpf ogt, %parallel_loop3A_917, %parallel_loop3A_908 : vector<16xf32>
      %parallel_loop3A_919 = arith.cmpf ogt, %parallel_loop3A_917, %parallel_loop3A_905 : vector<16xf32>
      %parallel_loop3A_920 = arith.minimumf %parallel_loop3A_917, %parallel_loop3A_908 : vector<16xf32>
      %parallel_loop3A_921 = arith.maximumf %parallel_loop3A_905, %parallel_loop3A_920 : vector<16xf32>
      %parallel_loop3A_922 = arith.select %parallel_loop3A_919, %parallel_loop3A_916, %parallel_loop3A_907 : vector<16xi1>, vector<16xi32>
      %parallel_loop3A_923 = arith.select %parallel_loop3A_918, %parallel_loop3A_909, %parallel_loop3A_922 : vector<16xi1>, vector<16xi32>
      %parallel_loop3A_924 = arith.maximumf %parallel_loop3A_908, %parallel_loop3A_917 : vector<16xf32>
      %parallel_loop3A_925 = arith.select %parallel_loop3A_918, %parallel_loop3A_916, %parallel_loop3A_909 : vector<16xi1>, vector<16xi32>
      %parallel_loop3A_926 = tpu.iota {dimensions = array<i32: 0>} : vector<16xi32>
      %parallel_loop3A_927 = arith.constant 57 : i32
      %parallel_loop3A_928 = vector.broadcast %parallel_loop3A_927 : i32 to vector<16xi32>
      %parallel_loop3A_929 = arith.addi %parallel_loop3A_926, %parallel_loop3A_928 : vector<16xi32>
      %parallel_loop3A_930 = arith.constant 63 : i32
      %parallel_loop3A_931 = vector.broadcast %parallel_loop3A_930 : i32 to vector<16xi32>
      %parallel_loop3A_932 = arith.andi %parallel_loop3A_929, %parallel_loop3A_931 : vector<16xi32>
      %parallel_loop3A_933 = tpu.vector_load_idx %arg5[%parallel_loop3A_13, %parallel_loop3A_932] : memref<1024x64xf32, #tpu.memory_space<vmem>>[vector<16xi32>, vector<16xi32>], vector<16xf32>,
      %parallel_loop3A_934 = arith.cmpf ogt, %parallel_loop3A_933, %parallel_loop3A_924 : vector<16xf32>
      %parallel_loop3A_935 = arith.cmpf ogt, %parallel_loop3A_933, %parallel_loop3A_921 : vector<16xf32>
      %parallel_loop3A_936 = arith.minimumf %parallel_loop3A_933, %parallel_loop3A_924 : vector<16xf32>
      %parallel_loop3A_937 = arith.maximumf %parallel_loop3A_921, %parallel_loop3A_936 : vector<16xf32>
      %parallel_loop3A_938 = arith.select %parallel_loop3A_935, %parallel_loop3A_932, %parallel_loop3A_923 : vector<16xi1>, vector<16xi32>
      %parallel_loop3A_939 = arith.select %parallel_loop3A_934, %parallel_loop3A_925, %parallel_loop3A_938 : vector<16xi1>, vector<16xi32>
      %parallel_loop3A_940 = arith.maximumf %parallel_loop3A_924, %parallel_loop3A_933 : vector<16xf32>
      %parallel_loop3A_941 = arith.select %parallel_loop3A_934, %parallel_loop3A_932, %parallel_loop3A_925 : vector<16xi1>, vector<16xi32>
      %parallel_loop3A_942 = tpu.iota {dimensions = array<i32: 0>} : vector<16xi32>
      %parallel_loop3A_943 = arith.constant 58 : i32
      %parallel_loop3A_944 = vector.broadcast %parallel_loop3A_943 : i32 to vector<16xi32>
      %parallel_loop3A_945 = arith.addi %parallel_loop3A_942, %parallel_loop3A_944 : vector<16xi32>
      %parallel_loop3A_946 = arith.constant 63 : i32
      %parallel_loop3A_947 = vector.broadcast %parallel_loop3A_946 : i32 to vector<16xi32>
      %parallel_loop3A_948 = arith.andi %parallel_loop3A_945, %parallel_loop3A_947 : vector<16xi32>
      %parallel_loop3A_949 = tpu.vector_load_idx %arg5[%parallel_loop3A_13, %parallel_loop3A_948] : memref<1024x64xf32, #tpu.memory_space<vmem>>[vector<16xi32>, vector<16xi32>], vector<16xf32>,
      %parallel_loop3A_950 = arith.cmpf ogt, %parallel_loop3A_949, %parallel_loop3A_940 : vector<16xf32>
      %parallel_loop3A_951 = arith.cmpf ogt, %parallel_loop3A_949, %parallel_loop3A_937 : vector<16xf32>
      %parallel_loop3A_952 = arith.minimumf %parallel_loop3A_949, %parallel_loop3A_940 : vector<16xf32>
      %parallel_loop3A_953 = arith.maximumf %parallel_loop3A_937, %parallel_loop3A_952 : vector<16xf32>
      %parallel_loop3A_954 = arith.select %parallel_loop3A_951, %parallel_loop3A_948, %parallel_loop3A_939 : vector<16xi1>, vector<16xi32>
      %parallel_loop3A_955 = arith.select %parallel_loop3A_950, %parallel_loop3A_941, %parallel_loop3A_954 : vector<16xi1>, vector<16xi32>
      %parallel_loop3A_956 = arith.maximumf %parallel_loop3A_940, %parallel_loop3A_949 : vector<16xf32>
      %parallel_loop3A_957 = arith.select %parallel_loop3A_950, %parallel_loop3A_948, %parallel_loop3A_941 : vector<16xi1>, vector<16xi32>
      %parallel_loop3A_958 = tpu.iota {dimensions = array<i32: 0>} : vector<16xi32>
      %parallel_loop3A_959 = arith.constant 59 : i32
      %parallel_loop3A_960 = vector.broadcast %parallel_loop3A_959 : i32 to vector<16xi32>
      %parallel_loop3A_961 = arith.addi %parallel_loop3A_958, %parallel_loop3A_960 : vector<16xi32>
      %parallel_loop3A_962 = arith.constant 63 : i32
      %parallel_loop3A_963 = vector.broadcast %parallel_loop3A_962 : i32 to vector<16xi32>
      %parallel_loop3A_964 = arith.andi %parallel_loop3A_961, %parallel_loop3A_963 : vector<16xi32>
      %parallel_loop3A_965 = tpu.vector_load_idx %arg5[%parallel_loop3A_13, %parallel_loop3A_964] : memref<1024x64xf32, #tpu.memory_space<vmem>>[vector<16xi32>, vector<16xi32>], vector<16xf32>,
      %parallel_loop3A_966 = arith.cmpf ogt, %parallel_loop3A_965, %parallel_loop3A_956 : vector<16xf32>
      %parallel_loop3A_967 = arith.cmpf ogt, %parallel_loop3A_965, %parallel_loop3A_953 : vector<16xf32>
      %parallel_loop3A_968 = arith.minimumf %parallel_loop3A_965, %parallel_loop3A_956 : vector<16xf32>
      %parallel_loop3A_969 = arith.maximumf %parallel_loop3A_953, %parallel_loop3A_968 : vector<16xf32>
      %parallel_loop3A_970 = arith.select %parallel_loop3A_967, %parallel_loop3A_964, %parallel_loop3A_955 : vector<16xi1>, vector<16xi32>
      %parallel_loop3A_971 = arith.select %parallel_loop3A_966, %parallel_loop3A_957, %parallel_loop3A_970 : vector<16xi1>, vector<16xi32>
      %parallel_loop3A_972 = arith.maximumf %parallel_loop3A_956, %parallel_loop3A_965 : vector<16xf32>
      %parallel_loop3A_973 = arith.select %parallel_loop3A_966, %parallel_loop3A_964, %parallel_loop3A_957 : vector<16xi1>, vector<16xi32>
      %parallel_loop3A_974 = tpu.iota {dimensions = array<i32: 0>} : vector<16xi32>
      %parallel_loop3A_975 = arith.constant 60 : i32
      %parallel_loop3A_976 = vector.broadcast %parallel_loop3A_975 : i32 to vector<16xi32>
      %parallel_loop3A_977 = arith.addi %parallel_loop3A_974, %parallel_loop3A_976 : vector<16xi32>
      %parallel_loop3A_978 = arith.constant 63 : i32
      %parallel_loop3A_979 = vector.broadcast %parallel_loop3A_978 : i32 to vector<16xi32>
      %parallel_loop3A_980 = arith.andi %parallel_loop3A_977, %parallel_loop3A_979 : vector<16xi32>
      %parallel_loop3A_981 = tpu.vector_load_idx %arg5[%parallel_loop3A_13, %parallel_loop3A_980] : memref<1024x64xf32, #tpu.memory_space<vmem>>[vector<16xi32>, vector<16xi32>], vector<16xf32>,
      %parallel_loop3A_982 = arith.cmpf ogt, %parallel_loop3A_981, %parallel_loop3A_972 : vector<16xf32>
      %parallel_loop3A_983 = arith.cmpf ogt, %parallel_loop3A_981, %parallel_loop3A_969 : vector<16xf32>
      %parallel_loop3A_984 = arith.minimumf %parallel_loop3A_981, %parallel_loop3A_972 : vector<16xf32>
      %parallel_loop3A_985 = arith.maximumf %parallel_loop3A_969, %parallel_loop3A_984 : vector<16xf32>
      %parallel_loop3A_986 = arith.select %parallel_loop3A_983, %parallel_loop3A_980, %parallel_loop3A_971 : vector<16xi1>, vector<16xi32>
      %parallel_loop3A_987 = arith.select %parallel_loop3A_982, %parallel_loop3A_973, %parallel_loop3A_986 : vector<16xi1>, vector<16xi32>
      %parallel_loop3A_988 = arith.maximumf %parallel_loop3A_972, %parallel_loop3A_981 : vector<16xf32>
      %parallel_loop3A_989 = arith.select %parallel_loop3A_982, %parallel_loop3A_980, %parallel_loop3A_973 : vector<16xi1>, vector<16xi32>
      %parallel_loop3A_990 = tpu.iota {dimensions = array<i32: 0>} : vector<16xi32>
      %parallel_loop3A_991 = arith.constant 61 : i32
      %parallel_loop3A_992 = vector.broadcast %parallel_loop3A_991 : i32 to vector<16xi32>
      %parallel_loop3A_993 = arith.addi %parallel_loop3A_990, %parallel_loop3A_992 : vector<16xi32>
      %parallel_loop3A_994 = arith.constant 63 : i32
      %parallel_loop3A_995 = vector.broadcast %parallel_loop3A_994 : i32 to vector<16xi32>
      %parallel_loop3A_996 = arith.andi %parallel_loop3A_993, %parallel_loop3A_995 : vector<16xi32>
      %parallel_loop3A_997 = tpu.vector_load_idx %arg5[%parallel_loop3A_13, %parallel_loop3A_996] : memref<1024x64xf32, #tpu.memory_space<vmem>>[vector<16xi32>, vector<16xi32>], vector<16xf32>,
      %parallel_loop3A_998 = arith.cmpf ogt, %parallel_loop3A_997, %parallel_loop3A_988 : vector<16xf32>
      %parallel_loop3A_999 = arith.cmpf ogt, %parallel_loop3A_997, %parallel_loop3A_985 : vector<16xf32>
      %parallel_loop3A_1000 = arith.minimumf %parallel_loop3A_997, %parallel_loop3A_988 : vector<16xf32>
      %parallel_loop3A_1001 = arith.maximumf %parallel_loop3A_985, %parallel_loop3A_1000 : vector<16xf32>
      %parallel_loop3A_1002 = arith.select %parallel_loop3A_999, %parallel_loop3A_996, %parallel_loop3A_987 : vector<16xi1>, vector<16xi32>
      %parallel_loop3A_1003 = arith.select %parallel_loop3A_998, %parallel_loop3A_989, %parallel_loop3A_1002 : vector<16xi1>, vector<16xi32>
      %parallel_loop3A_1004 = arith.maximumf %parallel_loop3A_988, %parallel_loop3A_997 : vector<16xf32>
      %parallel_loop3A_1005 = arith.select %parallel_loop3A_998, %parallel_loop3A_996, %parallel_loop3A_989 : vector<16xi1>, vector<16xi32>
      %parallel_loop3A_1006 = tpu.iota {dimensions = array<i32: 0>} : vector<16xi32>
      %parallel_loop3A_1007 = arith.constant 62 : i32
      %parallel_loop3A_1008 = vector.broadcast %parallel_loop3A_1007 : i32 to vector<16xi32>
      %parallel_loop3A_1009 = arith.addi %parallel_loop3A_1006, %parallel_loop3A_1008 : vector<16xi32>
      %parallel_loop3A_1010 = arith.constant 63 : i32
      %parallel_loop3A_1011 = vector.broadcast %parallel_loop3A_1010 : i32 to vector<16xi32>
      %parallel_loop3A_1012 = arith.andi %parallel_loop3A_1009, %parallel_loop3A_1011 : vector<16xi32>
      %parallel_loop3A_1013 = tpu.vector_load_idx %arg5[%parallel_loop3A_13, %parallel_loop3A_1012] : memref<1024x64xf32, #tpu.memory_space<vmem>>[vector<16xi32>, vector<16xi32>], vector<16xf32>,
      %parallel_loop3A_1014 = arith.cmpf ogt, %parallel_loop3A_1013, %parallel_loop3A_1004 : vector<16xf32>
      %parallel_loop3A_1015 = arith.cmpf ogt, %parallel_loop3A_1013, %parallel_loop3A_1001 : vector<16xf32>
      %parallel_loop3A_1016 = arith.minimumf %parallel_loop3A_1013, %parallel_loop3A_1004 : vector<16xf32>
      %parallel_loop3A_1017 = arith.maximumf %parallel_loop3A_1001, %parallel_loop3A_1016 : vector<16xf32>
      %parallel_loop3A_1018 = arith.select %parallel_loop3A_1015, %parallel_loop3A_1012, %parallel_loop3A_1003 : vector<16xi1>, vector<16xi32>
      %parallel_loop3A_1019 = arith.select %parallel_loop3A_1014, %parallel_loop3A_1005, %parallel_loop3A_1018 : vector<16xi1>, vector<16xi32>
      %parallel_loop3A_1020 = arith.maximumf %parallel_loop3A_1004, %parallel_loop3A_1013 : vector<16xf32>
      %parallel_loop3A_1021 = arith.select %parallel_loop3A_1014, %parallel_loop3A_1012, %parallel_loop3A_1005 : vector<16xi1>, vector<16xi32>
      %parallel_loop3A_1022 = tpu.iota {dimensions = array<i32: 0>} : vector<16xi32>
      %parallel_loop3A_1023 = arith.constant 63 : i32
      %parallel_loop3A_1024 = vector.broadcast %parallel_loop3A_1023 : i32 to vector<16xi32>
      %parallel_loop3A_1025 = arith.addi %parallel_loop3A_1022, %parallel_loop3A_1024 : vector<16xi32>
      %parallel_loop3A_1026 = arith.constant 63 : i32
      %parallel_loop3A_1027 = vector.broadcast %parallel_loop3A_1026 : i32 to vector<16xi32>
      %parallel_loop3A_1028 = arith.andi %parallel_loop3A_1025, %parallel_loop3A_1027 : vector<16xi32>
      %parallel_loop3A_1029 = tpu.vector_load_idx %arg5[%parallel_loop3A_13, %parallel_loop3A_1028] : memref<1024x64xf32, #tpu.memory_space<vmem>>[vector<16xi32>, vector<16xi32>], vector<16xf32>,
      %parallel_loop3A_1030 = arith.cmpf ogt, %parallel_loop3A_1029, %parallel_loop3A_1020 : vector<16xf32>
      %parallel_loop3A_1031 = arith.cmpf ogt, %parallel_loop3A_1029, %parallel_loop3A_1017 : vector<16xf32>
      %parallel_loop3A_1032 = arith.minimumf %parallel_loop3A_1029, %parallel_loop3A_1020 : vector<16xf32>
      %parallel_loop3A_1033 = arith.maximumf %parallel_loop3A_1017, %parallel_loop3A_1032 : vector<16xf32>
      %parallel_loop3A_1034 = arith.select %parallel_loop3A_1031, %parallel_loop3A_1028, %parallel_loop3A_1019 : vector<16xi1>, vector<16xi32>
      %parallel_loop3A_1035 = arith.select %parallel_loop3A_1030, %parallel_loop3A_1021, %parallel_loop3A_1034 : vector<16xi1>, vector<16xi32>
      %parallel_loop3A_1036 = arith.maximumf %parallel_loop3A_1020, %parallel_loop3A_1029 : vector<16xf32>
      %parallel_loop3A_1037 = arith.select %parallel_loop3A_1030, %parallel_loop3A_1028, %parallel_loop3A_1021 : vector<16xi1>, vector<16xi32>
      %parallel_loop3A_1038 = arith.cmpf oge, %parallel_loop3A_268, %parallel_loop3A_524 : vector<16xf32>
      %parallel_loop3A_1039 = arith.maximumf %parallel_loop3A_268, %parallel_loop3A_524 : vector<16xf32>
      %parallel_loop3A_1040 = arith.select %parallel_loop3A_1038, %parallel_loop3A_269, %parallel_loop3A_525 : vector<16xi1>, vector<16xi32>
      %parallel_loop3A_1041 = arith.maximumf %parallel_loop3A_265, %parallel_loop3A_524 : vector<16xf32>
      %parallel_loop3A_1042 = arith.maximumf %parallel_loop3A_268, %parallel_loop3A_521 : vector<16xf32>
      %parallel_loop3A_1043 = arith.select %parallel_loop3A_1038, %parallel_loop3A_1041, %parallel_loop3A_1042 : vector<16xi1>, vector<16xf32>
      %parallel_loop3A_1044 = arith.cmpf oge, %parallel_loop3A_265, %parallel_loop3A_524 : vector<16xf32>
      %parallel_loop3A_1045 = arith.select %parallel_loop3A_1044, %parallel_loop3A_267, %parallel_loop3A_525 : vector<16xi1>, vector<16xi32>
      %parallel_loop3A_1046 = arith.cmpf oge, %parallel_loop3A_268, %parallel_loop3A_521 : vector<16xf32>
      %parallel_loop3A_1047 = arith.select %parallel_loop3A_1046, %parallel_loop3A_269, %parallel_loop3A_523 : vector<16xi1>, vector<16xi32>
      %parallel_loop3A_1048 = arith.select %parallel_loop3A_1038, %parallel_loop3A_1045, %parallel_loop3A_1047 : vector<16xi1>, vector<16xi32>
      %parallel_loop3A_1049 = arith.cmpf oge, %parallel_loop3A_780, %parallel_loop3A_1036 : vector<16xf32>
      %parallel_loop3A_1050 = arith.maximumf %parallel_loop3A_780, %parallel_loop3A_1036 : vector<16xf32>
      %parallel_loop3A_1051 = arith.select %parallel_loop3A_1049, %parallel_loop3A_781, %parallel_loop3A_1037 : vector<16xi1>, vector<16xi32>
      %parallel_loop3A_1052 = arith.maximumf %parallel_loop3A_777, %parallel_loop3A_1036 : vector<16xf32>
      %parallel_loop3A_1053 = arith.maximumf %parallel_loop3A_780, %parallel_loop3A_1033 : vector<16xf32>
      %parallel_loop3A_1054 = arith.select %parallel_loop3A_1049, %parallel_loop3A_1052, %parallel_loop3A_1053 : vector<16xi1>, vector<16xf32>
      %parallel_loop3A_1055 = arith.cmpf oge, %parallel_loop3A_777, %parallel_loop3A_1036 : vector<16xf32>
      %parallel_loop3A_1056 = arith.select %parallel_loop3A_1055, %parallel_loop3A_779, %parallel_loop3A_1037 : vector<16xi1>, vector<16xi32>
      %parallel_loop3A_1057 = arith.cmpf oge, %parallel_loop3A_780, %parallel_loop3A_1033 : vector<16xf32>
      %parallel_loop3A_1058 = arith.select %parallel_loop3A_1057, %parallel_loop3A_781, %parallel_loop3A_1035 : vector<16xi1>, vector<16xi32>
      %parallel_loop3A_1059 = arith.select %parallel_loop3A_1049, %parallel_loop3A_1056, %parallel_loop3A_1058 : vector<16xi1>, vector<16xi32>
      %parallel_loop3A_1060 = arith.cmpf oge, %parallel_loop3A_1039, %parallel_loop3A_1050 : vector<16xf32>
      %parallel_loop3A_1061 = arith.maximumf %parallel_loop3A_1039, %parallel_loop3A_1050 : vector<16xf32>
      %parallel_loop3A_1062 = arith.select %parallel_loop3A_1060, %parallel_loop3A_1040, %parallel_loop3A_1051 : vector<16xi1>, vector<16xi32>
      %parallel_loop3A_1063 = arith.maximumf %parallel_loop3A_1043, %parallel_loop3A_1050 : vector<16xf32>
      %parallel_loop3A_1064 = arith.maximumf %parallel_loop3A_1039, %parallel_loop3A_1054 : vector<16xf32>
      %parallel_loop3A_1065 = arith.select %parallel_loop3A_1060, %parallel_loop3A_1063, %parallel_loop3A_1064 : vector<16xi1>, vector<16xf32>
      %parallel_loop3A_1066 = arith.cmpf oge, %parallel_loop3A_1043, %parallel_loop3A_1050 : vector<16xf32>
      %parallel_loop3A_1067 = arith.select %parallel_loop3A_1066, %parallel_loop3A_1048, %parallel_loop3A_1051 : vector<16xi1>, vector<16xi32>
      %parallel_loop3A_1068 = arith.cmpf oge, %parallel_loop3A_1039, %parallel_loop3A_1054 : vector<16xf32>
      %parallel_loop3A_1069 = arith.select %parallel_loop3A_1068, %parallel_loop3A_1040, %parallel_loop3A_1059 : vector<16xi1>, vector<16xi32>
      %parallel_loop3A_1070 = arith.select %parallel_loop3A_1060, %parallel_loop3A_1067, %parallel_loop3A_1069 : vector<16xi1>, vector<16xi32>
      %parallel_loop3A_1071 = arith.subf %parallel_loop3A_1065, %parallel_loop3A_1061 : vector<16xf32>
      %parallel_loop3A_1072 = math.exp %parallel_loop3A_1071 : vector<16xf32>
      %parallel_loop3A_1073 = arith.constant 1.000000e+00 : f32
      %parallel_loop3A_1074 = vector.broadcast %parallel_loop3A_1073 : f32 to vector<16xf32>
      %parallel_loop3A_1075 = arith.addf %parallel_loop3A_1074, %parallel_loop3A_1072 : vector<16xf32>
      %parallel_loop3A_1076 = arith.constant 1.000000e+00 : f32
      %parallel_loop3A_1077 = vector.broadcast %parallel_loop3A_1076 : f32 to vector<16xf32>
      %parallel_loop3A_1078 = arith.divf %parallel_loop3A_1077, %parallel_loop3A_1075 : vector<16xf32>
      tpu.vector_store_idx %arg6[%parallel_loop3A_13, %broadcast_in_dim3A_3], %parallel_loop3A_1078 : memref<1024x2xf32, #tpu.memory_space<vmem>>[vector<16xi32>, vector<16xi32>], vector<16xf32>,
      %parallel_loop3A_1079 = arith.constant 1 : i32
      %parallel_loop3A_1080 = vector.broadcast %parallel_loop3A_1079 : i32 to vector<16xi32>
      %parallel_loop3A_1081 = arith.addi %broadcast_in_dim3A_3, %parallel_loop3A_1080 : vector<16xi32>
      %parallel_loop3A_1082 = arith.constant 1.000000e+00 : f32
      %parallel_loop3A_1083 = vector.broadcast %parallel_loop3A_1082 : f32 to vector<16xf32>
      %parallel_loop3A_1084 = arith.subf %parallel_loop3A_1083, %parallel_loop3A_1078 : vector<16xf32>
      tpu.vector_store_idx %arg6[%parallel_loop3A_13, %parallel_loop3A_1081], %parallel_loop3A_1084 : memref<1024x2xf32, #tpu.memory_space<vmem>>[vector<16xi32>, vector<16xi32>], vector<16xf32>,
      tpu.vector_store_idx %arg7[%parallel_loop3A_13, %broadcast_in_dim3A_3], %parallel_loop3A_1062 : memref<1024x2xi32, #tpu.memory_space<vmem>>[vector<16xi32>, vector<16xi32>], vector<16xi32>,
      %parallel_loop3A_1085 = arith.constant 1 : i32
      %parallel_loop3A_1086 = vector.broadcast %parallel_loop3A_1085 : i32 to vector<16xi32>
      %parallel_loop3A_1087 = arith.addi %broadcast_in_dim3A_3, %parallel_loop3A_1086 : vector<16xi32>
      tpu.vector_store_idx %arg7[%parallel_loop3A_13, %parallel_loop3A_1087], %parallel_loop3A_1070 : memref<1024x2xi32, #tpu.memory_space<vmem>>[vector<16xi32>, vector<16xi32>], vector<16xi32>,
    } {sc.loop_unroll_factor = 2 : i64, sc.parallel_access}
    "tpu.region"() ({
      %run_scoped3A = tpu.sem_alloc : memref<!tpu.dma_semaphore, #tpu.memory_space<semaphore_mem>>
      %dma_start3A = arith.constant 0 : i32
      %dma_start3A_8 = tpu.memref_slice %arg3[%mul3A_2, %dma_start3A] : memref<32768x2xf32, #tpu.memory_space<hbm>> -> memref<1024x2xf32, #tpu.memory_space<hbm>>
      %dma_start3A_9 = arith.constant 0 : i32
      %dma_start3A_10 = tpu.memref_slice %arg3[%mul3A_2, %dma_start3A_9] : memref<32768x2xf32, #tpu.memory_space<hbm>> -> memref<1024x2xf32, #tpu.memory_space<hbm>>
      tpu.enqueue_dma source(%arg6 : memref<1024x2xf32, #tpu.memory_space<vmem>>) target(%dma_start3A_10 : memref<1024x2xf32, #tpu.memory_space<hbm>>) target_semaphore(%run_scoped3A : memref<!tpu.dma_semaphore, #tpu.memory_space<semaphore_mem>>)
      %dma_wait3A = arith.constant 0 : i32
      %dma_wait3A_11 = tpu.memref_slice %arg3[%mul3A_2, %dma_wait3A] : memref<32768x2xf32, #tpu.memory_space<hbm>> -> memref<1024x2xf32, #tpu.memory_space<hbm>>
      %dma_wait3A_12 = arith.constant 0 : i32
      %dma_wait3A_13 = tpu.memref_slice %arg3[%mul3A_2, %dma_wait3A_12] : memref<32768x2xf32, #tpu.memory_space<hbm>> -> memref<1024x2xf32, #tpu.memory_space<hbm>>
      tpu.wait_dma2 semaphore(%run_scoped3A : memref<!tpu.dma_semaphore, #tpu.memory_space<semaphore_mem>>) src(%arg6 : memref<1024x2xf32, #tpu.memory_space<vmem>>) dst(%dma_wait3A_13 : memref<1024x2xf32, #tpu.memory_space<hbm>>)
      tpu.yield
    }) : () -> ()
    "tpu.region"() ({
      %run_scoped3A = tpu.sem_alloc : memref<!tpu.dma_semaphore, #tpu.memory_space<semaphore_mem>>
      %dma_start3A = arith.constant 0 : i32
      %dma_start3A_8 = tpu.memref_slice %arg4[%mul3A_2, %dma_start3A] : memref<32768x2xi32, #tpu.memory_space<hbm>> -> memref<1024x2xi32, #tpu.memory_space<hbm>>
      %dma_start3A_9 = arith.constant 0 : i32
      %dma_start3A_10 = tpu.memref_slice %arg4[%mul3A_2, %dma_start3A_9] : memref<32768x2xi32, #tpu.memory_space<hbm>> -> memref<1024x2xi32, #tpu.memory_space<hbm>>
      tpu.enqueue_dma source(%arg7 : memref<1024x2xi32, #tpu.memory_space<vmem>>) target(%dma_start3A_10 : memref<1024x2xi32, #tpu.memory_space<hbm>>) target_semaphore(%run_scoped3A : memref<!tpu.dma_semaphore, #tpu.memory_space<semaphore_mem>>)
      %dma_wait3A = arith.constant 0 : i32
      %dma_wait3A_11 = tpu.memref_slice %arg4[%mul3A_2, %dma_wait3A] : memref<32768x2xi32, #tpu.memory_space<hbm>> -> memref<1024x2xi32, #tpu.memory_space<hbm>>
      %dma_wait3A_12 = arith.constant 0 : i32
      %dma_wait3A_13 = tpu.memref_slice %arg4[%mul3A_2, %dma_wait3A_12] : memref<32768x2xi32, #tpu.memory_space<hbm>> -> memref<1024x2xi32, #tpu.memory_space<hbm>>
      tpu.wait_dma2 semaphore(%run_scoped3A : memref<!tpu.dma_semaphore, #tpu.memory_space<semaphore_mem>>) src(%arg7 : memref<1024x2xi32, #tpu.memory_space<vmem>>) dst(%dma_wait3A_13 : memref<1024x2xi32, #tpu.memory_space<hbm>>)
      tpu.yield
    }) : () -> ()
    return
  }
}

module attributes {stable_mosaic.version = 14 : i64} {
  func.func @_matmul_body(%arg0: i32, %arg1: memref<4096x768xf32, #tpu.memory_space<vmem>>, %arg2: memref<64x768xf32, #tpu.memory_space<vmem>>, %arg3: memref<4096x64xf32, #tpu.memory_space<vmem>>) attributes {dimension_semantics = [#tpu.dimension_semantics<parallel>], iteration_bounds = array<i64: 8>, scalar_prefetch = 0 : i64, scratch_operands = 0 : i64, tpu.core_type = #tpu.core_type<tc>, window_params = [{transform_indices = @transform_0, window_bounds = array<i64: 4096, 768>}, {pipeline_mode = #tpu.pipeline_mode<synchronous>, transform_indices = @transform_1, window_bounds = array<i64: 64, 768>}, {transform_indices = @transform_2, window_bounds = array<i64: 4096, 64>}]} {
    %get3A = arith.constant 0 : index
    %get3A_0 = arith.constant 0 : index
    %get3A_1 = vector.load %arg1[%get3A, %get3A_0] : memref<4096x768xf32, #tpu.memory_space<vmem>>, vector<4096x768xf32>
    %get3A_2 = arith.constant 0 : index
    %get3A_3 = arith.constant 0 : index
    %get3A_4 = vector.load %arg2[%get3A_2, %get3A_3] : memref<64x768xf32, #tpu.memory_space<vmem>>, vector<64x768xf32>
    %dot_general3A = arith.constant dense<0.000000e+00> : vector<4096x64xf32>
    %dot_general3A_5 = tpu.matmul %get3A_1, %get3A_4, %dot_general3A {dimension_numbers = #tpu.dot_dimension_numbers<[1], [1], [0], [0], [0, 0, 1, 0], [], []>, transpose_lhs_hint = false} : vector<4096x768xf32>, vector<64x768xf32>, vector<4096x64xf32> -> vector<4096x64xf32>
    %swap3A = arith.constant 0 : index
    %swap3A_6 = arith.constant 0 : index
    %swap3A_7 = vector.load %arg3[%swap3A, %swap3A_6] : memref<4096x64xf32, #tpu.memory_space<vmem>>, vector<4096x64xf32>
    tpu.vector_store %arg3[%swap3A, %swap3A_6], %dot_general3A_5 {strides = array<i32>} : memref<4096x64xf32, #tpu.memory_space<vmem>>, vector<4096x64xf32>,
    return
  }
  func.func @transform_0(%arg0: i32) -> (i32, i32) {
    %c0_i32 = arith.constant 0 : i32
    %c0_i32_0 = arith.constant 0 : i32
    return %arg0, %c0_i32 : i32, i32
  }
  func.func @transform_1(%arg0: i32) -> (i32, i32) {
    %c0_i32 = arith.constant 0 : i32
    %c0_i32_0 = arith.constant 0 : i32
    %c0_i32_1 = arith.constant 0 : i32
    return %c0_i32, %c0_i32_0 : i32, i32
  }
  func.func @transform_2(%arg0: i32) -> (i32, i32) {
    %c0_i32 = arith.constant 0 : i32
    %c0_i32_0 = arith.constant 0 : i32
    return %arg0, %c0_i32 : i32, i32
  }
}

</mosaic_0001>

<sc_bundles>
// kernel: kernel.4.cloned.1.call-start
scs
__scs_entry_jumppad:
0x0: {  	(pc) =	sbr.rel $0x88, $3  }
0x1: {  	(tag) =	ssettag $0x0;
	lr =	simm.s32 $0x1  }
0x2: {  	[smem:$0x3F9F] =	sst lr;
	_ =	strace $0xD0000000  }
0x3: {  	_ = 	snop  }
0x4: {  	_ = 	snop  }
0x5: {  	_ = 	snop  }
0x6: {  	_ = 	snop  }
0x7: {  	_ = 	snop  }
__scs_overlays_trampoline_lowered:
0x8: {  	[smem:$0x3FAE] =	sst s0  }
0x9: {  	[smem:$0x3FAF] =	sst s1  }
0xa: {  	[smem:$0x3FB0] =	sst s2  }
0xb: {  	[smem:$0x3FB1] =	sst s3  }
0xc: {  	[smem:$0x3FB2] =	sst s4  }
0xd: {  	[smem:$0x3FB3] =	sst s5  }
0xe: {  	[smem:$0x3FB4] =	sst s6  }
0xf: {  	[smem:$0x3FB5] =	sst s7  }
0x10: {  	[smem:$0x3FB6] =	sst s8  }
0x11: {  	[smem:$0x3FB7] =	sst s9;
	s0 =	simm.s32 @!p0 $0x0  }
0x12: {  	s1 =	sld [smem:$0x3F9D];
	s0 =	simm.s32 @p0 $0x1  }
0x13: {  	[smem:$0x3FB8] =	sst s0;
	s0 =	simm.s32 @!p1 $0x0  }
0x14: {  	s2 =	sld [smem:$0x3F9C];
	s0 =	simm.s32 @p1 $0x1  }
0x15: {  	[smem:$0x3FB9] =	sst s0;
	s0 =	simm.s32 @!p2 $0x0  }
0x16: {  	s3 =	sld [smem:$0x3FDB];
	s0 =	simm.s32 @p2 $0x1  }
0x17: {  	s4 =	simm.s32 $0x1BF5;
	[smem:$0x3FBB] =	sst s0  }
0x18: {  	s0 =	sld [smem:$0x3F9E];
	_ =	swait.ge [sflag:s4], $0x0  }
0x19: {  	s7 =	sld [smem:$0x3F9F]  }
0x1a: {  	s8 =	sadd.s32 $0xFFFFE003, lr  }
0x1b: {  	s9 =	sadd.s32 $0xFFFFFEF7, lr;
	s5 =	simm.s32 $0xFFFFFFFF;
	p2 =	slt.u32 s8, $0xFFFFF086  }
0x1c: {  	p1 =	slt.u32 s9, $0xF7A;
	s5 =	simm.s32 @!p2 $0x0  }
0x1d: {  	s5 =	simm.s32 @p1 $0x1;
	p0 =	seq.s32 s7, s2  }
0x1e: {  	s7 =	smul.u32 @!p0 $0xF7A, s2;
	p2 =	seq.s32 @!p0 s5, $0x0  }
0x1f: {  	s9 =	smul.u32 $0xF7A, s1;
	s8 =	simm.s32 @!p0 $0x1BF5;
	p2 =	por !p2, p0  }
0x20: {  	[sflag:s8] =	ssyncset.s32 @!p0 $0xFFFFF086;
	s6 =	sadd.s32 @!p0 s3, s7;
	s7 =	simm.s32 @!p0 $0x108  }
0x21: {  	s3 =	sadd.s32 s3, s9;
	s6 =	sadd.s32 @!p0 $0x88, s6;
	s7 =	simm.s32 @p2 $0x1082  }
0x22: {  	[simem:s7], [sflag:s8] =	dma.local @!p0 [hbm:s6], $0xF7A  }
0x23: {  	s9 =	sor.u32 $0xD0000000, s2;
	s6 =	simm.s32 $0x108;
	_ =	swait.ge @!p0 [sflag:s8], $0x0  }
0x24: {  	s3 =	sadd.s32 $0x88, s3;
	s6 =	simm.s32 @!p1 $0x1082;
	[sflag:s4] =	ssyncset.s32 $0xFFFFF086  }
0x25: {  	[simem:s6], [sflag:s4] =	dma.local [hbm:s3], $0xF7A  }
0x26: {  	[smem:$0x3F9F] =	sst s1;
	(tag) =	ssettag s2;
	_ =	strace s9  }
0x27: {  	s1 =	sld [smem:$0x3FAF]  }
0x28: {  	s2 =	sld [smem:$0x3FB0]  }
0x29: {  	s4 =	sld [smem:$0x3FB2]  }
0x2a: {  	p0 =	seq.s32 s5, $0x0;
	s5 =	sld [smem:$0x3FB3]  }
0x2b: {  	s6 =	sld [smem:$0x3FB4]  }
0x2c: {  	s7 =	sld [smem:$0x3FB5]  }
0x2d: {  	s3 =	simm.s32 $0x108;
	s8 =	sld [smem:$0x3FB6]  }
0x2e: {  	s3 =	simm.s32 @!p0 $0x1082;
	s9 =	sld [smem:$0x3FB7]  }
0x2f: {  	lr =	sadd.s32 s0, s3;
	s0 =	sld [smem:$0x3FAE]  }
0x30: {  	s3 =	sld [smem:$0x3FB1]  }
0x31: {  	[smem:$0x3FBA] =	sst s10  }
0x32: {  	s10 =	sld [smem:$0x3FB8];
	_ =	sdelay $0x3  }
0x33: {  	p0 =	seq.s32 s10, $0x1;
	s10 =	sld [smem:$0x3FBA];
	_ =	sdelay $0x3  }
0x34: {  	[smem:$0x3FBA] =	sst s10  }
0x35: {  	s10 =	sld [smem:$0x3FB9];
	_ =	sdelay $0x3  }
0x36: {  	p1 =	seq.s32 s10, $0x1;
	s10 =	sld [smem:$0x3FBA];
	_ =	sdelay $0x3  }
0x37: {  	[smem:$0x3FBA] =	sst s10  }
0x38: {  	s10 =	sld [smem:$0x3FBB]  }
0x39: {  	_ = 	snop;
	(pc) =	sbr.ind lr, $3  }
0x3a: {  	_ = 	snop  }
0x3b: {  	_ = 	snop  }
0x3c: {  	p2 =	seq.s32 s10, $0x1;
	s10 =	sld [smem:$0x3FBA]  }
0x3d: {  	_ =	shalt  }
0x3e: {  	_ =	shalt  }
0x3f: {  	_ =	shalt  }
0x40: {  	_ =	shalt  }
0x41: {  	_ =	shalt  }
0x42: {  	_ =	shalt  }
0x43: {  	_ =	shalt  }
0x44: {  	_ =	shalt  }
0x45: {  	_ =	shalt  }
0x46: {  	_ =	shalt  }
0x47: {  	_ =	shalt  }
0x48: {  	_ =	shalt  }
0x49: {  	_ =	shalt  }
0x4a: {  	_ =	shalt  }
0x4b: {  	_ =	shalt  }
0x4c: {  	_ =	shalt  }
0x4d: {  	_ =	shalt  }
0x4e: {  	_ =	shalt  }
0x4f: {  	_ =	shalt  }
0x50: {  	_ =	shalt  }
0x51: {  	_ =	shalt  }
0x52: {  	_ =	shalt  }
0x53: {  	_ =	shalt  }
0x54: {  	_ =	shalt  }
0x55: {  	_ =	shalt  }
0x56: {  	_ =	shalt  }
0x57: {  	_ =	shalt  }
0x58: {  	_ =	shalt  }
0x59: {  	_ =	shalt  }
0x5a: {  	_ =	shalt  }
0x5b: {  	_ =	shalt  }
0x5c: {  	_ =	shalt  }
0x5d: {  	_ =	shalt  }
0x5e: {  	_ =	shalt  }
0x5f: {  	_ =	shalt  }
0x60: {  	_ =	shalt  }
0x61: {  	_ =	shalt  }
0x62: {  	_ =	shalt  }
0x63: {  	_ =	shalt  }
0x64: {  	_ =	shalt  }
0x65: {  	_ =	shalt  }
0x66: {  	_ =	shalt  }
0x67: {  	_ =	shalt  }
0x68: {  	_ =	shalt  }
0x69: {  	_ =	shalt  }
0x6a: {  	_ =	shalt  }
0x6b: {  	_ =	shalt  }
0x6c: {  	_ =	shalt  }
0x6d: {  	_ =	shalt  }
0x6e: {  	_ =	shalt  }
0x6f: {  	_ =	shalt  }
0x70: {  	_ =	shalt  }
0x71: {  	_ =	shalt  }
0x72: {  	_ =	shalt  }
0x73: {  	_ =	shalt  }
0x74: {  	_ =	shalt  }
0x75: {  	_ =	shalt  }
0x76: {  	_ =	shalt  }
0x77: {  	_ =	shalt  }
0x78: {  	_ =	shalt  }
0x79: {  	_ =	shalt  }
0x7a: {  	_ =	shalt  }
0x7b: {  	_ =	shalt  }
0x7c: {  	_ =	shalt  }
0x7d: {  	_ =	shalt  }
0x7e: {  	_ =	shalt  }
0x7f: {  	_ =	shalt  }
0x80: {  	_ =	shalt  }
0x81: {  	_ =	shalt  }
0x82: {  	_ =	shalt  }
0x83: {  	_ =	shalt  }
0x84: {  	_ =	shalt  }
0x85: {  	_ =	shalt  }
0x86: {  	_ =	shalt  }
0x87: {  	_ =	shalt  }
.Lfunc_end0:
.L_simem_size_0:
called_computation_lowered:
.L_overlay_start_0:
0x88: {  	s2 =	sld [smem:$0x3FD9]  }
0x89: {  	s3 =	sld [smem:$0x3FFE];
	_ =	sdelay $0x1  }
0x8a: {  	s1 =	srdreg.scid  }
0x8b: {  	s0 =	sand.u32 $0x1, s1  }
0x8c: {  	s16 =	sshll.u32 s0, $0xA;
	s2 =	sadd.s32 s3, s2  }
0x8d: {  	s2 =	sadd.s32 s2, s16  }
0x8e: {  	[smem:$0x3FC6] =	sst s2  }
0x8f: {  	_ = 	snop  }
0x90: {  	(tm) =	ssettm $0x1  }
0x91: {  	s17 =	sld [smem:$0x3FFB];
	_ =	sdelay $0x3  }
0x92: {  	_ =	strace s17  }
0x93: {  	s2 =	sld [smem:$0x3FFC];
	_ =	sdelay $0x3  }
0x94: {  	_ =	strace s2  }
0x95: {  	s2 =	sld [smem:$0x3FFD];
	_ =	sdelay $0x3  }
0x96: {  	_ =	strace s2  }
0x97: {  	_ =	strace $0x8FFFFFFF  }
0x98: {  	s18 =	sld [smem:$0x3FDB];
	_ =	sdelay $0x1  }
0x99: {  	s19 =	simm.s32 $_scs_section_size  }
0x9a: {  	s4 =	simm.s32 $_size__tile_overlayer_lowered;
	s5 =	simm.s32 $_tile_overlayer_lowered  }
0x9b: {  	s22 =	simm.s32 $0x1BFF;
	s21 =	sshll.u32 s5, $0x1;
	s2 =	sadd.s32 s19, s18  }
0x9c: {  	s6 =	simm.s32 $0x0;
	s20 =	sshll.u32 s4, $0x1;
	s4 =	sadd.s32 s21, s2  }
0x9d: {  	[timem:s6], [sflag:s22] =	dma.local [hbm:s4], s20  }
0x9e: {  	_ =	swait.ge [sflag:s22], s20  }
0x9f: {  	s3 =	ssub.s32 $0x0, s20;
	[sflag:s22] =	ssyncset.done $0x0  }
0xa0: {  	[sflag:s22] =	ssyncadd.s32 s3;
	_ =	sdelay $0x1  }
0xa1: {  	s23 =	simm.s32 $0x1B8B  }
0xa2: {  	_ =	swait.ge [sflag:s23], $0x1  }
0xa3: {  	[sflag:s23] =	ssyncset.done $0x0  }
0xa4: {  	s25 =	simm.s32 $0x1B8E;
	s24 =	sld [smem:$0x3FFE];
	[sflag:s23] =	ssyncadd.s32 $0xFFFFFFFF  }
0xa5: {  	s26 =	simm.s32 $execute0_lowered;
	[smem:$0x3FD2] =	sst s25  }
0xa6: {  	s4 =	sshll.u32 s26, $0x1;
	_ =	strace $0x80000046;
	[dreg:$0x1] =	wrdreg $0xFFFFFFFF  }
0xa7: {  	s28 =	simm.s32 $_size_execute0_lowered;
	s2 =	sadd.s32 s2, s4;
	[dreg:$0x0] =	wrdreg $0x0  }
0xa8: {  	s4 =	sshll.u32 s28, $0x1;
	[dreg:$0x2] =	wrdreg s2  }
0xa9: {  	[dreg:$0x3] =	wrdreg s4  }
0xaa: {  	[dreg:$0x4] =	wrdreg $0xC0  }
0xab: {  	_ =	task [dreg:s6], $0x5FFFF  }
0xac: {  	[dreg:$0x1] =	wrdreg $0xFFFFFFFF  }
0xad: {  	[dreg:$0x0] =	wrdreg $0x60  }
0xae: {  	[dreg:$0x2] =	wrdreg s24  }
0xaf: {  	[dreg:$0x3] =	wrdreg $0x9  }
0xb0: {  	_ =	task.clear_ibuf [dreg:s6], $0x4FFFF;
	_ =	strace $0x90000046  }
0xb1: {  	s29 =	simm.s32 $0x9;
	_ =	strace $0x80000048  }
0xb2: {  	_ =	swait.ge [sflag:s29], $0x1  }
0xb3: {  	[sflag:s29] =	ssyncadd.s32 $0xFFFFFFFF  }
0xb4: {  	_ =	strace $0x90000048  }
0xb5: {  	_ =	sfence  }
0xb6: {  	s30 =	sld [smem:$0x0];
	_ =	sdelay $0x2  }
0xb7: {  	s31 =	sshll.u32 s1, $0xD;
	s1 =	sshrl.u32 s1, $0x2  }
0xb8: {  	s3 =	sand.u32 $0x4000, s31;
	s1 =	sadd.s32 s1, s30  }
0xb9: {  	s0 =	sor.u32 s3, s0;
	s1 =	sshll.u32 s1, $0x11  }
0xba: {  	s0 =	sor.u32 s1, s0  }
0xbb: {  	s0 =	sadd.s32 $0x8F2B, s0  }
0xbc: {  	[sflag:s0] =	ssyncadd.remote.s32 $0x1  }
0xbd: {  	_ =	sfence.sel $0xFFFF  }
0xbe: {  	[dreg:$0x0] =	wrdreg $0xFFFFFFFF;
	(pc) =	sbr.abs _section_cstart, $3  }
0xbf: {  	[dreg:$0x1] =	wrdreg $0xFFFFFFFF  }
0xc0: {  	_ =	task.clear_ibuf [dreg:s6], $0x2FFFF;
	_ =	strace $0x9FFFFFFF  }
0xc1: {  	(tm) =	ssettm $0x7FFFFFFF  }
tec
execute0_lowered:
.L_overlay_start_1:
0x0: {  	(tag) =	ssettag $0x1  }
0x1: {  	v33 =	vlaneseq.u32;
	v11 =	vimm.s32 $0x34333231  }
0x2: {  	v1 =	vimm.s32 $0x38373635;
	v37 =	vimm.s32 $0x3C3B3A39;
	v2 =	vimm.s32 $0x3F3E3D  }
0x3: {  	vm4 =	vcmask $0x1F10;
	v46 =	vimm.s32 $0x35343332;
	v50 =	vimm.s32 $0x39383736  }
0x4: {  	v56 =	vimm.s32 $0x3D3C3B3A;
	v63 =	vimm.s32 $0x1003F3E;
	v5 =	vimm.s32 $0x36353433  }
0x5: {  	v6 =	vimm.s32 $0x3E3D3C3B;
	v7 =	vimm.s32 $0x201003F;
	v51 =	vimm.s32 $0x3B3A3938  }
0x6: {  	v0 =	vadd.s32 $0x18, v33;
	v8 =	vadd.s32 $0x19, v33;
	v9 =	vadd.s32 $0x1D, v33  }
0x7: {  	v10 =	vadd.s32 $0x1E, v33;
	v3 =	vunpack.c.0.s8.s32 v1;
	v4 =	vunpack.c.0.s8.s32 v37  }
0x8: {  	v1 =	vunpack.c.0.s8.s32 v2;
	v39 =	vadd.s32 $0x23, v33;
	v45 =	vadd.s32 $0x24, v33;
	[tilespmem:$0x1FC90] =	vst v0  }
0x9: {  	v55 =	vunpack.c.0.s8.s32 v46;
	v37 =	vunpack.c.0.s8.s32 v5;
	v5 =	vunpack.c.0.s8.s32 v7;
	[tilespmem:$0x1FCA0] =	vst v8  }
0xa: {  	v46 =	vimm.s32 $0x3F3E3D3C;
	[tilespmem:$0x1FCC0] =	vst v10;
	v0 =	vunpack.c.0.s8.s32 v11;
	v10 =	vunpack.c.0.s8.s32 v50  }
0xb: {  	[tilespmem:$0x1FCD0] =	vst v39;
	v11 =	vunpack.c.0.s8.s32 v56;
	v39 =	vimm.s32 $0x3A393837;
	v8 =	vunpack.c.0.s8.s32 v6  }
0xc: {  	[tilespmem:$0x1FCE0] =	vst v45;
	v45 =	vimm.s32 $0x3020100;
	v50 =	vimm.s32 $0x37363534;
	v12 =	vunpack.c.0.s8.s32 v46  }
0xd: {  	[tilespmem:$0x1FCB0] =	vst v9;
	v46 =	vimm.s32 $0x5040302;
	v2 =	vsel vm4, v1, v4;
	v9 =	vunpack.c.0.s8.s32 v39  }
0xe: {  	v7 =	vunpack.c.0.s8.s32 v45;
	v54 =	vunpack.c.0.s8.s32 v50;
	v45 =	vimm.s32 $0x87654321  }
0xf: {  	v48 =	vmovc v3;
	v50 =	vimm.s32 $0x98765432;
	v0 =	vsel vm4, v3, v0;
	v3 =	vunpack.c.0.s8.s32 v63  }
0x10: {  	[tilespmem:$0x1FD00] =	vst v8;
	v8 =	vsel vm4, v5, v8;
	v52 =	vcombine.low v0, v2;
	v0 =	vsel vm4, v10, v55  }
0x11: {  	v47 =	vmovc v4;
	v4 =	vsel vm4, v9, v37;
	v55 =	vunpack.c.0.s8.s32 v51;
	v56 =	vsel vm4, v7, v12  }
0x12: {  	v37 =	vimm.s32 $0x4030201;
	v51 =	vunpack.c.0.s8.s32 v46;
	v6 =	vsel vm4, v3, v11  }
0x13: {  	v21 =	vcombine.low v4, v8;
	v39 =	vunpack.c.0.s8.s32 v37;
	v4 =	vunpack.c.l.s4.s8 v45  }
0x14: {  	v19 =	vmovc v11;
	v17 =	vcombine.low v0, v6;
	v11 =	vsel vm4, v55, v54;
	v54 =	vunpack.c.l.s4.s8 v50  }
0x15: {  	[tilespmem:$0x1FD10] =	vst v55;
	v55 =	vimm.s32 $0xA9876543;
	v0 =	vcombine.low v11, v56;
	v56 =	vimm.s32 $0x32107654  }
0x16: {  	v63 =	vmovc v10;
	[tilespmem:$0x1FCF0] =	vst v9;
	v9 =	vunpack.c.l.s4.s8 v55;
	v7 =	vunpack.c.0.s8.s32 v54;
	v10 =	vunpack.c.l.s4.s8 v56  }
0x17: {  	v37 =	vimm.s32 $0x43218765;
	v4 =	vunpack.c.0.s8.s32 v4;
	[tilespmem:$0x1FD20] =	vst v0;
	v0 =	vsel vm4, v39, v1  }
0x18: {  	[tilespmem:$0x1FD60] =	vst v12;
	v9 =	vunpack.c.0.s8.s32 v9;
	v7 =	vand.u32 $0xF, v7;
	v10 =	vunpack.c.0.s8.s32 v10  }
0x19: {  	s2 =	srdreg.scid;
	v4 =	vand.u32 $0xF, v4;
	[tilespmem:$0x1FD30] =	vst v0;
	v0 =	vsel vm4, v51, v3;
	v11 =	vcombine.low v6, v7  }
0x1a: {  	s3 =	rddreg [dreg:$0x0];
	s4 =	sand.u32 $0x1, s2;
	s2 =	simm.s32 $0x0;
	v45 =	vcombine.low v2, v4;
	[tilespmem:$0x1FD40] =	vst v0;
	v39 =	vand.u32 $0xF, v9;
	v46 =	vand.u32 $0xF, v10  }
0x1b: {  	[smem:$0x7FF] =	sst s2;
	v10 =	vimm.s32 $0xD0C0B0A;
	[tilespmem:$0x1FD50] =	vst v11;
	v11 =	vcombine.low v8, v39;
	v8 =	vadd.s32 $0x29, v33  }
0x1c: {  	s0 =	rddreg [dreg:$0x1];
	v2 =	vunpack.c.l.s4.s8 v37;
	v37 =	vunpack.c.0.s8.s32 v10;
	v10 =	vadd.s32 $0x2B, v33;
	_ =	strace $0x80000047;
	[tilespmem:$0x1FDB0] =	vst v8  }
0x1d: {  	v43 =	vadd.s32 $0x2, v33;
	[tilespmem:$0x1FDD0] =	vst v10  }
0x1e: {  	v59 =	vadd.s32 $0x1, v33;
	[tilespmem:$0x1FE20] =	vst v43  }
0x1f: {  	v23 =	vadd.s32 $0x1B, v33;
	[tilespmem:$0x1FE30] =	vst v59  }
0x20: {  	v22 =	vadd.s32 $0x1C, v33;
	[tilespmem:$0x1FE40] =	vst v23  }
0x21: {  	v58 =	vadd.s32 $0x3, v33;
	[tilespmem:$0x1FE50] =	vst v22  }
0x22: {  	v13 =	vadd.s32 $0x1F, v33;
	[tilespmem:$0x1FE60] =	vst v58  }
0x23: {  	v38 =	vadd.s32 $0xF, v33;
	[tilespmem:$0x1FE70] =	vst v13  }
0x24: {  	v32 =	vadd.s32 $0x13, v33;
	[tilespmem:$0x1FE80] =	vst v38  }
0x25: {  	[tilespmem:$0x1FE90] =	vst v32  }
0x26: {  	[tilespmem:$0x1FEA0] =	vst v48  }
0x27: {  	v60 =	vadd.s32 $0x1A, v33;
	[tilespmem:$0x1FEB0] =	vst v47  }
0x28: {  	v42 =	vor.u32 $0x20, v33;
	[tilespmem:$0x1FEC0] =	vst v60  }
0x29: {  	v61 =	vadd.s32 $0x21, v33;
	[tilespmem:$0x1FED0] =	vst v42  }
0x2a: {  	[tilespmem:$0x1FEE0] =	vst v61  }
0x2b: {  	[tilespmem:$0x1FEF0] =	vst v63  }
0x2c: {  	v14 =	vor.u32 $0x10, v33;
	[tilespmem:$0x1FF00] =	vst v19  }
0x2d: {  	v15 =	vadd.s32 $0x25, v33;
	[tilespmem:$0x1FF10] =	vst v14  }
0x2e: {  	[tilespmem:$0x1FF20] =	vst v15  }
0x2f: {  	[tilespmem:$0x1FF30] =	vst v17  }
0x30: {  	v51 =	vimm.s32 $0x54329876;
	[tilespmem:$0x1FF40] =	vst v21  }
0x31: {  	v9 =	vunpack.c.l.s4.s8 v51;
	v51 =	vadd.s32 $0x26, v33;
	[tilespmem:$0x1FF50] =	vst v45  }
0x32: {  	vm0 =	vcmask $0x2F10;
	v25 =	vadd.s32 $0x4, v33;
	v0 =	vimm.s32 $0x6050403;
	[tilespmem:$0x1FF80] =	vst v51  }
0x33: {  	v26 =	vadd.s32 $0x5, v33;
	v50 =	vimm.s32 $0xB0A0908;
	v0 =	vunpack.c.0.s8.s32 v0;
	[tilespmem:$0x1FFD0] =	vst v25  }
0x34: {  	vm1 =	vcmask $0x3F30;
	v28 =	vadd.s32 $0x7, v33;
	v7 =	vunpack.c.0.s8.s32 v50;
	[tilespmem:$0x1FFE0] =	vst v26  }
0x35: {  	v54 =	vsel vm0, v46, v12;
	v55 =	vunpack.c.0.s8.s32 v9;
	v0 =	vsel vm4, v0, v5;
	[tilespmem:$0x1FFF0] =	vst v28  }
0x36: {  	v9 =	vimm.s32 $0x6543A987;
	v16 =	vsel vm1, v7, v54;
	v7 =	vadd.s32 $0x28, v33;
	[tilespmem:$0x1FD70] =	vst v0  }
0x37: {  	v46 =	vimm.s32 $0x76543210;
	v6 =	vunpack.c.l.s4.s8 v9;
	v9 =	vadd.s32 $0x2A, v33;
	[tilespmem:$0x1FD90] =	vst v7  }
0x38: {  	v2 =	vunpack.c.0.s8.s32 v2;
	v54 =	vunpack.c.l.s4.s8 v46;
	v46 =	vadd.s32 $0x2E, v33;
	[tilespmem:$0x1FDC0] =	vst v9  }
0x39: {  	v27 =	vadd.s32 $0x6, v33;
	v57 =	vadd.s32 $0x8, v33;
	[tilespmem:$0x1FE00] =	vst v46  }
0x3a: {  	v56 =	vimm.s32 $0xC0B0A09;
	v39 =	vimm.s32 $0xE0D0C0B;
	v2 =	vand.u32 $0xF, v2;
	[tilespmem:$0x1FF60] =	vst v11  }
0x3b: {  	v4 =	vand.u32 $0xF, v55;
	[tilespmem:$0x1FF70] =	vst v16;
	v0 =	vunpack.c.0.s8.s32 v54;
	v54 =	vadd.s32 $0x2F, v33  }
0x3c: {  	v1 =	vsel vm0, v2, v1;
	v2 =	vunpack.c.0.s8.s32 v56;
	v3 =	vsel vm0, v4, v3;
	[tilespmem:$0x1FFC0] =	vst v54  }
0x3d: {  	v6 =	vunpack.c.0.s8.s32 v6;
	v12 =	vsel vm1, v37, v3;
	v37 =	vadd.s32 $0x2C, v33;
	[tilespmem:$0x1FDA0] =	vst v0  }
0x3e: {  	v56 =	vsel vm1, v2, v1;
	v1 =	vunpack.c.0.s8.s32 v39;
	v39 =	vadd.s32 $0x2D, v33;
	[tilespmem:$0x1FDE0] =	vst v37  }
0x3f: {  	s1 =	stileid.u32;
	s8 =	simm.s32 $0x10000;
	s9 =	simm.s32 $0x12000;
	v30 =	vadd.s32 $0x9, v33;
	v31 =	vadd.s32 $0xA, v33;
	v62 =	vadd.s32 $0xB, v33;
	[tilespmem:$0x1FDF0] =	vst v39  }
0x40: {  	v35 =	vadd.s32 $0xC, v33;
	v36 =	vadd.s32 $0xD, v33;
	s5 =	sshll.u32 s1, $0xB;
	s6 =	sshll.u32 s4, $0xA;
	s4 =	ssub.s32 $0x2, s4;
	v50 =	vand.u32 $0xF, v6;
	[tilespmem:$0x1FF90] =	vst v56  }
0x41: {  	s10 =	simm.s32 $0x0;
	v40 =	vadd.s32 $0xE, v33;
	s5 =	sor.u32 s6, s5;
	s31 =	sshrl.u32 s4, $0x1;
	v6 =	vadd.s32 $0x27, v33;
	[tilespmem:$0x1FFA0] =	vst v12;
	v55 =	vsel vm0, v50, v5  }
0x42: {  	v49 =	vadd.s32 $0x11, v33;
	s6 =	sshll.u32 s5, $0x3;
	s5 =	sadd.s32 s5, s3;
	s7 =	ssub.s32 s4, s31;
	[tilespmem:$0x1FD80] =	vst v6;
	v50 =	vsel vm1, v1, v55;
	v55 =	vor.u32 $0x30, v33  }
0x43: {  	v44 =	vadd.s32 $0x12, v33;
	v53 =	vadd.s32 $0x14, v33;
	v18 =	vadd.s32 $0x15, v33;
	s6 =	sadd.s32 s6, s3;
	s4 =	sadd.s32 $0x48C00, s5;
	s5 =	sadd.s32 $0x40C00, s5;
	[tilespmem:$0x1FE10] =	vst v55  }
0x44: {  	v34 =	vadd.s32 $0x16, v33;
	v41 =	vadd.s32 $0x17, v33;
	v20 =	vadd.s32 $0x22, v33;
	s3 =	sadd.s32 $0xC00, s6;
	s6 =	smax.u32 s7, $0x1;
	s7 =	simm.s32 $0x1;
	[tilespmem:$0x1FFB0] =	vst v50  }
.LBB2_1:
0x45: {  	[tilespmem:s2], [sflag:$0x1] =	stream.linear.gather [hbm4b:s3+s2], $0x10000, $0x38;
	[tilespmem:$0x14000] =	vst v63  }
0x46: {  	_ =	swait.ge [sflag:s7], $0x10000  }
0x47: {  	[sflag:s7] =	ssyncset.done $0x0  }
0x48: {  	s11 =	simm.s32 $0xFFFFFFFE;
	s12 =	simm.s32 $0x10;
	[sflag:s7] =	ssyncadd.s32 $0xFFFF0000  }
.LBB2_2:
0x49: {  	s13 =	sadd.s32 $0xFFFFFFF0, s12;
	v6 =	vlaneseq.u32  }
0x4a: {  	v0 =	vor.u32 s13, v6  }
0x4b: {  	v16 =	vshll.u32 v0, $0x6  }
0x4c: {  	[tilespmem:$0x1FC30] =	vst v0;
	v0 =	vor.u32 v6, v16;
	_ =	sdelay $0x1  }
0x4d: {  	v1 =	vor.u32 v59, v16;
	_ =	sdelay $0x1  }
0x4e: {  	v2 =	vor.u32 v43, v16  }
0x4f: {  	v0 =	vld.idx.msk [tilespmem:v0+s2+$0x0], $0xffff  }
0x50: {  	v3 =	vor.u32 v58, v16  }
0x51: {  	v45 =	vor.u32 v30, v16;
	v1 =	vld.idx.msk [tilespmem:v1+s2+$0x0], $0xffff  }
0x52: {  	v46 =	vor.u32 v31, v16;
	v48 =	vor.u32 v62, v16;
	v17 =	vmovc v61;
	v5 =	vor.u32 v25, v16  }
0x53: {  	v54 =	vor.u32 v26, v16;
	v61 =	vor.u32 v27, v16;
	v9 =	vor.u32 v28, v16;
	v2 =	vld.idx.msk [tilespmem:v2+s2+$0x0], $0xffff  }
0x54: {  	v10 =	vmovc v38;
	v38 =	vor.u32 v57, v16;
	v4 =	vmin.f32 v0, $-3.000000010e+38;
	vm0 =	vgt.f32 v0, $-3.000000010e+38  }
0x55: {  	v3 =	vld.idx.msk [tilespmem:v3+s2+$0x0], $0xffff;
	v0 =	vmax.f32 v0, $-3.000000010e+38;
	v4 =	vmax.f32 v4, $-3.000000010e+38;
	v6 =	vnsel vm0, $0x0, v6  }
0x56: {  	vm1 =	vgt.f32 v1, v0;
	v7 =	vmin.f32 v1, v0;
	v0 =	vmax.f32 v0, v1  }
0x57: {  	v5 =	vld.idx.msk [tilespmem:v5+s2+$0x0], $0xffff;
	vm11 =	vgt.f32 v1, v4;
	v4 =	vmax.f32 v4, v7;
	v55 =	vsel vm1, v59, v6  }
0x58: {  	vm13 =	vgt.f32 v2, v0;
	v56 =	vmin.f32 v2, v0;
	v0 =	vmax.f32 v0, v2  }
0x59: {  	v8 =	vnsel vm11, $0x0, v59;
	vm12 =	vgt.f32 v2, v4;
	v4 =	vmax.f32 v4, v56  }
0x5a: {  	v1 =	vsel vm13, v43, v55;
	vm15 =	vgt.f32 v3, v0;
	v2 =	vmin.f32 v3, v0  }
0x5b: {  	v19 =	vmovc v63;
	v0 =	vmax.f32 v0, v3;
	v50 =	vsel vm1, v6, v8;
	vm14 =	vgt.f32 v3, v4  }
0x5c: {  	v8 =	vld.idx.msk [tilespmem:v54+s2+$0x0], $0xffff;
	v2 =	vmax.f32 v4, v2;
	vm9 =	vgt.f32 v5, v0;
	v3 =	vmin.f32 v5, v0  }
0x5d: {  	v37 =	vmovc v23;
	v0 =	vmax.f32 v0, v5;
	v7 =	vsel vm12, v43, v50;
	vm8 =	vgt.f32 v5, v2  }
0x5e: {  	v23 =	vmovc v59;
	v2 =	vmax.f32 v2, v3;
	v50 =	vor.u32 v35, v16;
	v59 =	vsel vm13, v55, v7  }
0x5f: {  	v7 =	vld.idx.msk [tilespmem:v61+s2+$0x0], $0xffff;
	v55 =	vor.u32 v36, v16;
	v61 =	vor.u32 v40, v16;
	v6 =	vsel vm14, v58, v59  }
0x60: {  	v63 =	vsel vm15, v1, v6;
	v1 =	vsel vm15, v58, v1;
	v6 =	vld.idx.msk [tilespmem:v9+s2+$0x0], $0xffff;
	v9 =	vor.u32 v49, v16  }
0x61: {  	v4 =	vsel vm8, v25, v63;
	vm10 =	vgt.f32 v8, v2;
	vm11 =	vgt.f32 v8, v0  }
0x62: {  	v5 =	vmin.f32 v8, v0;
	v0 =	vmax.f32 v0, v8;
	v63 =	vor.u32 v10, v16  }
0x63: {  	v11 =	vsel vm9, v1, v4;
	v1 =	vsel vm9, v25, v1;
	v2 =	vmax.f32 v2, v5  }
0x64: {  	v3 =	vsel vm10, v26, v11;
	vm12 =	vgt.f32 v7, v2;
	vm13 =	vgt.f32 v7, v0  }
0x65: {  	v4 =	vld.idx.msk [tilespmem:v38+s2+$0x0], $0xffff;
	v8 =	vmin.f32 v7, v0;
	v0 =	vmax.f32 v0, v7;
	v3 =	vsel vm11, v1, v3  }
0x66: {  	v1 =	vsel vm11, v26, v1;
	v2 =	vmax.f32 v2, v8;
	v8 =	vld.idx.msk [tilespmem:v46+s2+$0x0], $0xffff;
	v46 =	vor.u32 v14, v16  }
0x67: {  	v5 =	vld.idx.msk [tilespmem:v45+s2+$0x0], $0xffff;
	v3 =	vsel vm12, v27, v3;
	vm14 =	vgt.f32 v6, v2;
	v7 =	vmin.f32 v6, v0  }
0x68: {  	vm15 =	vgt.f32 v6, v0;
	v0 =	vmax.f32 v0, v6;
	v2 =	vmax.f32 v2, v7;
	v7 =	vld.idx.msk [tilespmem:v48+s2+$0x0], $0xffff  }
0x69: {  	v3 =	vsel vm13, v1, v3;
	v1 =	vsel vm13, v27, v1;
	v48 =	vld.idx.msk [tilespmem:v63+s2+$0x0], $0xffff;
	v63 =	vor.u32 v53, v16  }
0x6a: {  	v3 =	vsel vm14, v28, v3;
	vm8 =	vgt.f32 v4, v2;
	vm9 =	vgt.f32 v4, v0  }
0x6b: {  	v6 =	vmin.f32 v4, v0;
	v0 =	vmax.f32 v0, v4;
	v3 =	vsel vm15, v1, v3  }
0x6c: {  	v1 =	vsel vm15, v28, v1;
	v2 =	vmax.f32 v2, v6;
	vm11 =	vgt.f32 v5, v0  }
0x6d: {  	v54 =	vmin.f32 v5, v0;
	v0 =	vmax.f32 v0, v5;
	v3 =	vsel vm8, v57, v3  }
0x6e: {  	vm10 =	vgt.f32 v5, v2;
	v2 =	vmax.f32 v2, v54;
	vm13 =	vgt.f32 v8, v0  }
0x6f: {  	v4 =	vld.idx.msk [tilespmem:v50+s2+$0x0], $0xffff;
	v59 =	vmin.f32 v8, v0;
	v0 =	vmax.f32 v0, v8;
	v54 =	vor.u32 v44, v16  }
0x70: {  	v3 =	vsel vm9, v1, v3;
	v1 =	vsel vm9, v57, v1;
	vm12 =	vgt.f32 v8, v2  }
0x71: {  	v2 =	vmax.f32 v2, v59;
	v59 =	vor.u32 v32, v16;
	v3 =	vsel vm10, v30, v3  }
0x72: {  	v5 =	vld.idx.msk [tilespmem:v55+s2+$0x0], $0xffff;
	vm14 =	vgt.f32 v7, v2;
	vm15 =	vgt.f32 v7, v0;
	v8 =	vmin.f32 v7, v0  }
0x73: {  	v50 =	vld.idx.msk [tilespmem:v46+s2+$0x0], $0xffff;
	v0 =	vmax.f32 v0, v7;
	v3 =	vsel vm11, v1, v3;
	v1 =	vsel vm11, v30, v1  }
0x74: {  	v6 =	vld.idx.msk [tilespmem:v61+s2+$0x0], $0xffff;
	v2 =	vmax.f32 v2, v8;
	vm8 =	vgt.f32 v4, v0;
	v45 =	vmin.f32 v4, v0  }
0x75: {  	v0 =	vmax.f32 v0, v4;
	v3 =	vsel vm12, v31, v3;
	vm9 =	vgt.f32 v4, v2  }
0x76: {  	v2 =	vmax.f32 v2, v45;
	v3 =	vsel vm13, v1, v3;
	v1 =	vsel vm13, v31, v1  }
0x77: {  	vm10 =	vgt.f32 v5, v2;
	v4 =	vmin.f32 v5, v0;
	vm11 =	vgt.f32 v5, v0  }
0x78: {  	v0 =	vmax.f32 v0, v5;
	v7 =	vmax.f32 v50, $-3.000000010e+38;
	v3 =	vsel vm14, v62, v3  }
0x79: {  	v2 =	vmax.f32 v2, v4;
	v5 =	vmin.f32 v6, v0;
	vm13 =	vgt.f32 v6, v0  }
0x7a: {  	v0 =	vmax.f32 v0, v6;
	v3 =	vsel vm15, v1, v3;
	v1 =	vsel vm15, v62, v1  }
0x7b: {  	vm12 =	vgt.f32 v6, v2;
	v2 =	vmax.f32 v2, v5;
	v55 =	vmin.f32 v48, v0  }
0x7c: {  	vm1 =	vgt.f32 v48, v0;
	v45 =	vmax.f32 v0, v48;
	v3 =	vsel vm9, v35, v3  }
0x7d: {  	v38 =	vmovc v62;
	v6 =	vld.idx.msk [tilespmem:v9+s2+$0x0], $0xffff;
	v62 =	vmin.f32 v50, $-3.000000010e+38;
	vm15 =	vgt.f32 v50, $-3.000000010e+38;
	v3 =	vsel vm8, v1, v3  }
0x7e: {  	v9 =	vld.idx.msk [tilespmem:v59+s2+$0x0], $0xffff;
	v59 =	vor.u32 v18, v16;
	v1 =	vsel vm8, v35, v1;
	v3 =	vsel vm10, v36, v3  }
0x7f: {  	vm14 =	vgt.f32 v48, v2;
	v0 =	vmax.f32 v62, $-3.000000010e+38;
	v3 =	vsel vm11, v1, v3  }
0x80: {  	v48 =	vnsel vm15, $0x0, v14;
	v1 =	vsel vm11, v36, v1;
	v3 =	vsel vm12, v40, v3  }
0x81: {  	v5 =	vsel vm13, v40, v1;
	v3 =	vsel vm13, v1, v3;
	v1 =	vmax.f32 v2, v55;
	v2 =	vld.idx.msk [tilespmem:v54+s2+$0x0], $0xffff  }
0x82: {  	v62 =	vor.u32 v34, v16;
	vm8 =	vgt.f32 v6, v0;
	vm2 =	vgt.f32 v6, v7  }
0x83: {  	v12 =	vmovc v10;
	v46 =	vmovc v44;
	v50 =	vmin.f32 v6, v7;
	v6 =	vmax.f32 v7, v6;
	v54 =	vnsel vm8, $0x0, v49  }
0x84: {  	v0 =	vmax.f32 v0, v50;
	v4 =	vsel vm2, v49, v48;
	[tilespmem:$0x1FBD0] =	vst v1;
	v61 =	vsel vm14, v10, v3  }
0x85: {  	v55 =	vsel vm2, v48, v54;
	v3 =	vld.idx.msk [tilespmem:v63+s2+$0x0], $0xffff;
	v48 =	vor.u32 v41, v16;
	v1 =	vsel vm1, v5, v61  }
0x86: {  	v10 =	vld.idx.msk [tilespmem:v59+s2+$0x0], $0xffff;
	vm9 =	vgt.f32 v2, v0;
	vm10 =	vgt.f32 v2, v6;
	v7 =	vmin.f32 v2, v6  }
0x87: {  	v54 =	vld [tilespmem:$0x1FC90];
	v2 =	vmax.f32 v6, v2;
	v8 =	vsel vm9, v46, v55;
	v0 =	vmax.f32 v0, v7  }
0x88: {  	vm12 =	vgt.f32 v9, v2;
	v6 =	vmin.f32 v9, v2;
	v2 =	vmax.f32 v2, v9  }
0x89: {  	v61 =	vsel vm10, v4, v8;
	v4 =	vsel vm10, v46, v4;
	vm11 =	vgt.f32 v9, v0  }
0x8a: {  	v0 =	vmax.f32 v0, v6;
	vm14 =	vgt.f32 v3, v2;
	v9 =	vmin.f32 v3, v2  }
0x8b: {  	v8 =	vld.idx.msk [tilespmem:v62+s2+$0x0], $0xffff;
	v2 =	vmax.f32 v2, v3;
	v7 =	vsel vm11, v32, v61;
	vm13 =	vgt.f32 v3, v0  }
0x8c: {  	v0 =	vmax.f32 v0, v9;
	v9 =	vor.u32 v54, v16;
	vm8 =	vgt.f32 v10, v2;
	v61 =	vld [tilespmem:$0x1FCA0]  }
0x8d: {  	v55 =	vmin.f32 v10, v2;
	v63 =	vsel vm12, v4, v7;
	v4 =	vsel vm12, v32, v4  }
0x8e: {  	vm15 =	vgt.f32 v10, v0;
	v7 =	vld.idx.msk [tilespmem:v48+s2+$0x0], $0xffff;
	v0 =	vmax.f32 v0, v55;
	v6 =	vsel vm13, v53, v63  }
0x8f: {  	v55 =	vor.u32 v37, v16;
	v50 =	vsel vm14, v53, v4;
	v6 =	vsel vm14, v4, v6  }
0x90: {  	v2 =	vmax.f32 v2, v10;
	v3 =	vsel vm8, v18, v50;
	v6 =	vsel vm15, v18, v6  }
0x91: {  	vm9 =	vgt.f32 v8, v0;
	vm10 =	vgt.f32 v8, v2;
	v48 =	vor.u32 v61, v16  }
0x92: {  	v10 =	vmin.f32 v8, v2;
	v2 =	vmax.f32 v2, v8;
	v59 =	vsel vm8, v50, v6  }
0x93: {  	v9 =	vld.idx.msk [tilespmem:v9+s2+$0x0], $0xffff;
	v0 =	vmax.f32 v0, v10;
	v50 =	vor.u32 v60, v16;
	v8 =	vmin.f32 v7, v2  }
0x94: {  	v4 =	vsel vm9, v34, v59;
	vm11 =	vgt.f32 v7, v0;
	v0 =	vmax.f32 v0, v8;
	v8 =	vld.idx.msk [tilespmem:v55+s2+$0x0], $0xffff  }
0x95: {  	vm12 =	vgt.f32 v7, v2;
	v4 =	vsel vm10, v3, v4;
	v55 =	vld [tilespmem:$0x1FCB0]  }
0x96: {  	v2 =	vmax.f32 v2, v7;
	v3 =	vsel vm10, v34, v3;
	v4 =	vsel vm11, v41, v4;
	v6 =	vld.idx.msk [tilespmem:v48+s2+$0x0], $0xffff  }
0x97: {  	v59 =	vor.u32 v22, v16;
	v4 =	vsel vm12, v3, v4;
	v3 =	vsel vm12, v41, v3;
	v48 =	vld [tilespmem:$0x1FCC0]  }
0x98: {  	vm13 =	vgt.f32 v9, v0;
	vm14 =	vgt.f32 v9, v2;
	v7 =	vmin.f32 v9, v2;
	v10 =	vld.idx.msk [tilespmem:v50+s2+$0x0], $0xffff  }
0x99: {  	v2 =	vmax.f32 v2, v9;
	v50 =	vor.u32 v42, v16;
	v4 =	vsel vm13, v54, v4  }
0x9a: {  	v0 =	vmax.f32 v0, v7;
	v4 =	vsel vm14, v3, v4;
	v3 =	vsel vm14, v54, v3  }
0x9b: {  	vm15 =	vgt.f32 v6, v0;
	vm8 =	vgt.f32 v6, v2;
	v9 =	vmin.f32 v6, v2  }
0x9c: {  	v7 =	vld.idx.msk [tilespmem:v59+s2+$0x0], $0xffff;
	v2 =	vmax.f32 v2, v6;
	v6 =	vor.u32 v55, v16;
	v59 =	vor.u32 v48, v16  }
0x9d: {  	v4 =	vsel vm15, v61, v4;
	v0 =	vmax.f32 v0, v9;
	vm10 =	vgt.f32 v10, v2  }
0x9e: {  	v56 =	vmovc v30;
	v30 =	vld [tilespmem:$0x1FCD0];
	v62 =	vmin.f32 v10, v2;
	v63 =	vmax.f32 v2, v10;
	v2 =	vsel vm1, v12, v5  }
0x9f: {  	v4 =	vsel vm8, v3, v4;
	v3 =	vsel vm8, v61, v3;
	vm9 =	vgt.f32 v10, v0  }
0xa0: {  	v0 =	vmax.f32 v0, v62;
	vm12 =	vgt.f32 v8, v63;
	v11 =	vmin.f32 v8, v63  }
0xa1: {  	v62 =	vmax.f32 v63, v8;
	v63 =	vor.u32 v13, v16;
	v4 =	vsel vm9, v60, v4  }
0xa2: {  	vm11 =	vgt.f32 v8, v0;
	v0 =	vmax.f32 v0, v11;
	vm13 =	vgt.f32 v7, v62;
	v8 =	vld.idx.msk [tilespmem:v50+s2+$0x0], $0xffff  }
0xa3: {  	v9 =	vmin.f32 v7, v62;
	v11 =	vor.u32 v30, v16;
	v4 =	vsel vm10, v3, v4;
	v5 =	vld.idx.msk [tilespmem:v6+s2+$0x0], $0xffff  }
0xa4: {  	v3 =	vsel vm10, v60, v3;
	vm14 =	vgt.f32 v7, v0;
	v4 =	vsel vm11, v37, v4  }
0xa5: {  	v0 =	vmax.f32 v0, v9;
	v9 =	vld.idx.msk [tilespmem:v59+s2+$0x0], $0xffff;
	v6 =	vmax.f32 v62, v7;
	v4 =	vsel vm12, v3, v4  }
0xa6: {  	v59 =	vor.u32 v17, v16;
	v3 =	vsel vm12, v37, v3;
	v4 =	vsel vm14, v22, v4  }
0xa7: {  	v62 =	vld.idx.msk [tilespmem:v63+s2+$0x0], $0xffff;
	v63 =	vor.u32 v20, v16;
	v4 =	vsel vm13, v3, v4;
	vm12 =	vgt.f32 v8, $-3.000000010e+38  }
0xa8: {  	v3 =	vsel vm13, v22, v3;
	v42 =	vnsel vm12, $0x0, v42;
	vm15 =	vgt.f32 v5, v0  }
0xa9: {  	v7 =	vmin.f32 v5, v6;
	vm8 =	vgt.f32 v5, v6;
	v5 =	vmax.f32 v6, v5  }
0xaa: {  	v0 =	vmax.f32 v0, v7;
	v4 =	vsel vm15, v55, v4;
	v6 =	vmin.f32 v9, v5  }
0xab: {  	v47 =	vmovc v22;
	v22 =	vld [tilespmem:$0x1FCE0];
	vm10 =	vgt.f32 v9, v5;
	v5 =	vmax.f32 v5, v9;
	v4 =	vsel vm8, v3, v4  }
0xac: {  	v3 =	vsel vm8, v55, v3;
	vm9 =	vgt.f32 v9, v0;
	v0 =	vmax.f32 v0, v6;
	v9 =	vld.idx.msk [tilespmem:v59+s2+$0x0], $0xffff  }
0xad: {  	v50 =	vmin.f32 v62, v5;
	vm1 =	vgt.f32 v62, v5;
	v4 =	vsel vm9, v48, v4  }
0xae: {  	v6 =	vsel vm10, v48, v3;
	vm11 =	vgt.f32 v62, v0;
	v4 =	vsel vm10, v3, v4  }
0xaf: {  	v59 =	vsel vm11, v13, v4;
	v4 =	vmax.f32 v5, v62;
	v62 =	vmin.f32 v8, $-3.000000010e+38;
	v5 =	vld.idx.msk [tilespmem:v63+s2+$0x0], $0xffff  }
0xb0: {  	v50 =	vmax.f32 v0, v50;
	v63 =	vor.u32 v22, v16;
	v0 =	vmax.f32 v62, $-3.000000010e+38  }
0xb1: {  	v8 =	vmax.f32 v8, $-3.000000010e+38;
	v3 =	vsel vm1, v6, v59;
	vm13 =	vgt.f32 v9, v0  }
0xb2: {  	v11 =	vld.idx.msk [tilespmem:v11+s2+$0x0], $0xffff;
	vm14 =	vgt.f32 v9, v8;
	v12 =	vmin.f32 v9, v8;
	v13 =	vnsel vm13, $0x0, v17  }
0xb3: {  	v0 =	vmax.f32 v0, v12;
	v12 =	vsel vm14, v42, v13;
	v13 =	vor.u32 v15, v16  }
0xb4: {  	v21 =	vmovc v26;
	v26 =	vld [tilespmem:$0x1FD80];
	v8 =	vmax.f32 v8, v9;
	v59 =	vsel vm14, v17, v42;
	vm15 =	vgt.f32 v5, v0  }
0xb5: {  	vm8 =	vgt.f32 v5, v8;
	v62 =	vmin.f32 v5, v8;
	v7 =	vld.idx.msk [tilespmem:v63+s2+$0x0], $0xffff;
	v5 =	vmax.f32 v8, v5  }
0xb6: {  	v12 =	vsel vm15, v20, v12;
	v0 =	vmax.f32 v0, v62;
	v42 =	vsel vm8, v20, v59  }
0xb7: {  	vm10 =	vgt.f32 v11, v5;
	v63 =	vsel vm8, v59, v12;
	v12 =	vor.u32 v51, v16  }
0xb8: {  	vm9 =	vgt.f32 v11, v0;
	v59 =	vmin.f32 v11, v5;
	v5 =	vmax.f32 v5, v11;
	v13 =	vld.idx.msk [tilespmem:v13+s2+$0x0], $0xffff  }
0xb9: {  	v33 =	vmovc v25;
	v25 =	vld [tilespmem:$0x1FD90];
	v8 =	vsel vm10, v30, v42;
	v10 =	vsel vm9, v30, v63;
	v0 =	vmax.f32 v0, v59  }
0xba: {  	v63 =	vor.u32 v26, v16;
	v62 =	vsel vm10, v42, v10;
	vm11 =	vgt.f32 v7, v0  }
0xbb: {  	v39 =	vmovc v28;
	v28 =	vld [tilespmem:$0x1FDB0];
	vm12 =	vgt.f32 v7, v5;
	v11 =	vmin.f32 v7, v5;
	v5 =	vmax.f32 v5, v7  }
0xbc: {  	v9 =	vsel vm11, v22, v62;
	v0 =	vmax.f32 v0, v11;
	v42 =	vsel vm12, v22, v8;
	v12 =	vld.idx.msk [tilespmem:v12+s2+$0x0], $0xffff  }
0xbd: {  	v44 =	vmovc v18;
	v18 =	vld [tilespmem:$0x1FDE0];
	v9 =	vsel vm12, v8, v9;
	vm13 =	vgt.f32 v13, v0;
	vm14 =	vgt.f32 v13, v5  }
0xbe: {  	v11 =	vor.u32 v25, v16;
	v9 =	vsel vm13, v15, v9;
	v7 =	vsel vm14, v15, v42;
	v15 =	vld [tilespmem:$0x1FDC0]  }
0xbf: {  	v10 =	vld.idx.msk [tilespmem:v63+s2+$0x0], $0xffff;
	v59 =	vmin.f32 v13, v5  }
0xc0: {  	v17 =	vld [tilespmem:$0x1FDD0];
	v63 =	vor.u32 v28, v16;
	v0 =	vmax.f32 v0, v59  }
0xc1: {  	v5 =	vmax.f32 v5, v13;
	v62 =	vsel vm14, v42, v9;
	vm15 =	vgt.f32 v12, v0  }
0xc2: {  	vm8 =	vgt.f32 v12, v5;
	v13 =	vmin.f32 v12, v5;
	v5 =	vmax.f32 v5, v12  }
0xc3: {  	v11 =	vld.idx.msk [tilespmem:v11+s2+$0x0], $0xffff;
	v8 =	vsel vm15, v51, v62;
	v0 =	vmax.f32 v0, v13;
	v13 =	vor.u32 v15, v16  }
0xc4: {  	v42 =	vor.u32 v18, v16;
	v12 =	vmin.f32 v10, v5;
	v8 =	vsel vm8, v7, v8  }
0xc5: {  	v9 =	vld.idx.msk [tilespmem:v63+s2+$0x0], $0xffff;
	vm9 =	vgt.f32 v10, v0;
	v0 =	vmax.f32 v0, v12;
	v12 =	vor.u32 v17, v16  }
0xc6: {  	vm10 =	vgt.f32 v10, v5;
	v7 =	vsel vm8, v51, v7;
	v8 =	vsel vm9, v26, v8  }
0xc7: {  	v29 =	vmovc v20;
	v20 =	vld [tilespmem:$0x1FDF0];
	v5 =	vmax.f32 v5, v10;
	v8 =	vsel vm10, v7, v8;
	v7 =	vsel vm10, v26, v7  }
0xc8: {  	vm11 =	vgt.f32 v11, v0;
	vm12 =	vgt.f32 v11, v5;
	v10 =	vmin.f32 v11, v5;
	v13 =	vld.idx.msk [tilespmem:v13+s2+$0x0], $0xffff  }
0xc9: {  	v5 =	vmax.f32 v5, v11;
	v8 =	vsel vm11, v25, v8;
	v0 =	vmax.f32 v0, v10  }
0xca: {  	v8 =	vsel vm12, v7, v8;
	v7 =	vsel vm12, v25, v7;
	vm13 =	vgt.f32 v9, v0;
	v12 =	vld.idx.msk [tilespmem:v12+s2+$0x0], $0xffff  }
0xcb: {  	vm14 =	vgt.f32 v9, v5;
	v11 =	vmin.f32 v9, v5;
	v5 =	vmax.f32 v5, v9  }
0xcc: {  	v9 =	vor.u32 v20, v16;
	v8 =	vsel vm13, v28, v8;
	v0 =	vmax.f32 v0, v11  }
0xcd: {  	v8 =	vsel vm14, v7, v8;
	v7 =	vsel vm14, v28, v7;
	vm15 =	vgt.f32 v13, v0  }
0xce: {  	v14 =	vld [tilespmem:$0x1FE00];
	vm8 =	vgt.f32 v13, v5;
	v51 =	vmin.f32 v13, v5;
	v59 =	vmax.f32 v5, v13  }
0xcf: {  	v63 =	vld [tilespmem:$0x1FE70];
	v8 =	vsel vm15, v15, v8;
	v0 =	vmax.f32 v0, v51;
	vm10 =	vgt.f32 v12, v59  }
0xd0: {  	v10 =	vld.idx.msk [tilespmem:v42+s2+$0x0], $0xffff;
	v62 =	vmin.f32 v12, v59;
	v8 =	vsel vm8, v7, v8;
	vm9 =	vgt.f32 v12, v0  }
0xd1: {  	v7 =	vsel vm8, v15, v7;
	v0 =	vmax.f32 v0, v62;
	v62 =	vld [tilespmem:$0x1FFC0];
	v8 =	vsel vm9, v17, v8  }
0xd2: {  	v42 =	vsel vm10, v7, v8;
	v7 =	vsel vm10, v17, v7;
	v17 =	vld [tilespmem:$0x1FE10];
	_ =	sdelay $0x1  }
0xd3: {  	v13 =	vor.u32 v14, v16  }
0xd4: {  	v8 =	vld.idx.msk [tilespmem:v9+s2+$0x0], $0xffff  }
0xd5: {  	v11 =	vor.u32 v62, v16  }
0xd6: {  	v5 =	vsel vm1, v63, v6;
	v59 =	vmax.f32 v59, v12;
	v63 =	vor.u32 v17, v16  }
0xd7: {  	v12 =	vmin.f32 v10, v59;
	vm12 =	vgt.f32 v10, v59;
	vm11 =	vgt.f32 v10, v0  }
0xd8: {  	v0 =	vmax.f32 v0, v12;
	v9 =	vmax.f32 v59, v10;
	v6 =	vsel vm11, v18, v42;
	v12 =	vld.idx.msk [tilespmem:v13+s2+$0x0], $0xffff  }
0xd9: {  	v15 =	vld [tilespmem:$0x1FF30];
	v42 =	vor.u32 v52, v16;
	v6 =	vsel vm12, v7, v6;
	vm13 =	vgt.f32 v8, v0  }
0xda: {  	v13 =	vsel vm12, v18, v7;
	vm14 =	vgt.f32 v8, v9;
	v6 =	vsel vm13, v20, v6;
	v7 =	vld.idx.msk [tilespmem:v11+s2+$0x0], $0xffff  }
0xdb: {  	v59 =	vmin.f32 v8, v9;
	v62 =	vsel vm14, v20, v13;
	v6 =	vsel vm14, v13, v6;
	v13 =	vld.idx.msk [tilespmem:v63+s2+$0x0], $0xffff  }
0xdc: {  	v8 =	vmax.f32 v9, v8;
	v0 =	vmax.f32 v0, v59  }
0xdd: {  	v9 =	vmin.f32 v12, v8;
	vm8 =	vgt.f32 v12, v8;
	vm15 =	vgt.f32 v12, v0  }
0xde: {  	v0 =	vmax.f32 v0, v9;
	v6 =	vsel vm15, v14, v6;
	v63 =	vor.u32 v15, v16;
	v15 =	vmovc v14  }
0xdf: {  	v10 =	vld.idx.msk [tilespmem:v42+s2+$0x0], $0xffff;
	v9 =	vmax.f32 v8, v12;
	v14 =	vsel vm8, v62, v6;
	v8 =	vsel vm8, v15, v62  }
0xe0: {  	v59 =	vld [tilespmem:$0x1FF40];
	v42 =	vmin.f32 v7, v9;
	vm9 =	vgt.f32 v7, v0;
	v62 =	vmin.f32 v13, $-3.000000010e+38  }
0xe1: {  	v6 =	vmax.f32 v0, v42;
	vm10 =	vgt.f32 v13, $-3.000000010e+38;
	v0 =	vmax.f32 v62, $-3.000000010e+38;
	v62 =	vld [tilespmem:$0x1FEB0]  }
0xe2: {  	v51 =	vnsel vm10, $0x0, v17;
	v17 =	vld [tilespmem:$0x1FEA0];
	_ =	sdelay $0x2  }
0xe3: {  	v11 =	vor.u32 v59, v16;
	v12 =	vmax.f32 v13, $-3.000000010e+38  }
0xe4: {  	v13 =	vld.idx.msk [tilespmem:v63+s2+$0x0], $0xffff;
	v63 =	vmin.f32 v10, v12  }
0xe5: {  	vm11 =	vgt.f32 v10, v0;
	v59 =	vmax.f32 v0, v63;
	v0 =	vsel vm4, v62, v17;
	v17 =	vld [tilespmem:$0x1FD30];
	_ =	sdelay $0x1  }
0xe6: {  	v18 =	vld [tilespmem:$0x1FF30];
	vm3 =	vgt.f32 v10, v12  }
0xe7: {  	v11 =	vld.idx.msk [tilespmem:v11+s2+$0x0], $0xffff;
	v10 =	vmax.f32 v12, v10;
	v12 =	vsel vm3, v52, v51;
	v42 =	vnsel vm11, $0x0, v52  }
0xe8: {  	v63 =	vsel vm3, v51, v42;
	vm12 =	vgt.f32 v13, v10;
	vm3 =	vgt.f32 v13, v59;
	v62 =	vld [tilespmem:$0x1FF00]  }
0xe9: {  	v24 =	vcombine.low v0, v17;
	v0 =	vmin.f32 v13, v10;
	v10 =	vmax.f32 v10, v13;
	v13 =	vld [tilespmem:$0x1FD40]  }
0xea: {  	v20 =	vld [tilespmem:$0x1FF40];
	_ =	sdelay $0x2  }
0xeb: {  	v18 =	vsel vm3, v18, v63;
	v51 =	vmax.f32 v59, v0;
	v0 =	vsel vm4, v62, v19;
	v62 =	vld [tilespmem:$0x1FCF0]  }
0xec: {  	v19 =	vld [tilespmem:$0x1FD00];
	vm3 =	vgt.f32 v11, v51;
	v63 =	vcombine.low v0, v13;
	v13 =	vsel vm12, v12, v18  }
0xed: {  	v13 =	vsel vm3, v20, v13;
	v20 =	vld [tilespmem:$0x1FD70];
	_ =	sdelay $0x3  }
0xee: {  	v0 =	vsel vm4, v19, v62  }
0xef: {  	v59 =	vcombine.low v0, v20;
	v20 =	vld [tilespmem:$0x1FFC0];
	_ =	sdelay $0x2  }
0xf0: {  	v42 =	vld [tilespmem:$0x1FD20]  }
0xf1: {  	v0 =	vld [tilespmem:$0x1FD10]  }
0xf2: {  	v14 =	vsel vm9, v20, v14;
	v20 =	vld [tilespmem:$0x1FD60];
	_ =	sdelay $0x3  }
0xf3: {  	v15 =	vor.u32 v42, v16;
	v18 =	vld [tilespmem:$0x1FF30];
	v19 =	vmin.f32 v11, v10  }
0xf4: {  	v19 =	vmax.f32 v51, v19;
	v51 =	vsel vm4, v20, v0;
	v20 =	vld [tilespmem:$0x1FF40]  }
0xf5: {  	v17 =	vor.u32 v24, v16;
	_ =	sdelay $0x2  }
0xf6: {  	vm13 =	vgt.f32 v11, v10;
	v15 =	vld.idx.msk [tilespmem:v15+s2+$0x0], $0xffff;
	v12 =	vsel vm12, v18, v12  }
0xf7: {  	v18 =	vor.u32 v63, v16;
	v13 =	vsel vm13, v12, v13;
	v12 =	vsel vm13, v20, v12;
	v20 =	vld [tilespmem:$0x1FDA0]  }
0xf8: {  	v17 =	vld.idx.msk [tilespmem:v17+s2+$0x0], $0xffff;
	v62 =	vor.u32 v59, v16;
	_ =	sdelay $0x1  }
0xf9: {  	v10 =	vmax.f32 v10, v11  }
0xfa: {  	vm15 =	vgt.f32 v15, v10  }
0xfb: {  	v18 =	vld.idx.msk [tilespmem:v18+s2+$0x0], $0xffff;
	v51 =	vcombine.low v51, v20;
	v20 =	vmin.f32 v15, v10;
	v10 =	vmax.f32 v10, v15  }
0xfc: {  	vm14 =	vgt.f32 v15, v19;
	v11 =	vld.idx.msk [tilespmem:v62+s2+$0x0], $0xffff;
	v19 =	vmax.f32 v19, v20;
	v15 =	vmin.f32 v17, v10  }
0xfd: {  	vm8 =	vgt.f32 v17, v19;
	v15 =	vmax.f32 v19, v15;
	v19 =	vld [tilespmem:$0x1FF50]  }
0xfe: {  	v13 =	vsel vm14, v42, v13  }
0xff: {  	vm9 =	vgt.f32 v17, v10;
	v10 =	vmax.f32 v10, v17;
	v20 =	vor.u32 v51, v16  }
0x100: {  	v13 =	vsel vm15, v12, v13;
	v12 =	vsel vm15, v42, v12;
	vm11 =	vgt.f32 v18, v10  }
0x101: {  	v0 =	vld [tilespmem:$0x1FD50];
	v17 =	vmin.f32 v18, v10;
	v10 =	vmax.f32 v10, v18;
	vm10 =	vgt.f32 v18, v15  }
0x102: {  	v15 =	vmax.f32 v15, v17;
	v18 =	vmin.f32 v11, v10;
	v19 =	vor.u32 v19, v16  }
0x103: {  	v13 =	vsel vm8, v24, v13;
	vm12 =	vgt.f32 v11, v15;
	v15 =	vmax.f32 v15, v18;
	v18 =	vld [tilespmem:$0x1FF60]  }
0x104: {  	v13 =	vsel vm9, v12, v13;
	v20 =	vld.idx.msk [tilespmem:v20+s2+$0x0], $0xffff  }
0x105: {  	v12 =	vsel vm9, v24, v12;
	v13 =	vsel vm10, v63, v13  }
0x106: {  	v17 =	vor.u32 v0, v16;
	v13 =	vsel vm11, v12, v13  }
0x107: {  	vm13 =	vgt.f32 v11, v10;
	v12 =	vsel vm11, v63, v12;
	v13 =	vsel vm12, v59, v13;
	v19 =	vld.idx.msk [tilespmem:v19+s2+$0x0], $0xffff  }
0x108: {  	v10 =	vmax.f32 v10, v11;
	v62 =	vsel vm13, v59, v12;
	v13 =	vsel vm13, v12, v13  }
0x109: {  	v18 =	vor.u32 v18, v16;
	vm14 =	vgt.f32 v20, v15;
	v12 =	vmin.f32 v20, v10  }
0x10a: {  	vm15 =	vgt.f32 v20, v10;
	v13 =	vsel vm14, v51, v13;
	v12 =	vmax.f32 v15, v12;
	v15 =	vld [tilespmem:$0x1FF70]  }
0x10b: {  	v11 =	vsel vm15, v51, v62;
	v13 =	vsel vm15, v62, v13;
	v62 =	vld [tilespmem:$0x1FF50]  }
0x10c: {  	v17 =	vld.idx.msk [tilespmem:v17+s2+$0x0], $0xffff;
	v10 =	vmax.f32 v10, v20;
	vm8 =	vgt.f32 v19, v12  }
0x10d: {  	vm9 =	vgt.f32 v19, v10;
	v20 =	vmin.f32 v19, v10;
	v10 =	vmax.f32 v10, v19;
	v19 =	vld [tilespmem:$0x1FF50]  }
0x10e: {  	v18 =	vld.idx.msk [tilespmem:v18+s2+$0x0], $0xffff;
	_ =	sdelay $0x1  }
0x10f: {  	v15 =	vor.u32 v15, v16;
	v13 =	vsel vm8, v62, v13  }
0x110: {  	v12 =	vmax.f32 v12, v20;
	vm11 =	vgt.f32 v17, v10;
	v13 =	vsel vm9, v11, v13  }
0x111: {  	v20 =	vld [tilespmem:$0x1FF90];
	v11 =	vsel vm9, v19, v11;
	v19 =	vmin.f32 v17, v10;
	v10 =	vmax.f32 v10, v17  }
0x112: {  	vm10 =	vgt.f32 v17, v12;
	v12 =	vmax.f32 v12, v19;
	v19 =	vld [tilespmem:$0x1FFA0];
	v17 =	vmin.f32 v18, v10  }
0x113: {  	vm12 =	vgt.f32 v18, v12;
	v12 =	vmax.f32 v12, v17;
	v17 =	vld [tilespmem:$0x1FFB0];
	_ =	sdelay $0x1  }
0x114: {  	v13 =	vsel vm10, v0, v13  }
0x115: {  	v13 =	vsel vm11, v11, v13;
	v11 =	vsel vm11, v0, v11;
	v0 =	vld [tilespmem:$0x1FF60]  }
0x116: {  	v20 =	vor.u32 v20, v16;
	v15 =	vld.idx.msk [tilespmem:v15+s2+$0x0], $0xffff  }
0x117: {  	v19 =	vor.u32 v19, v16;
	v16 =	vor.u32 v17, v16;
	v17 =	vld [tilespmem:$0x1FF60];
	_ =	sdelay $0x2  }
0x118: {  	vm13 =	vgt.f32 v18, v10;
	v10 =	vmax.f32 v10, v18;
	v18 =	vld [tilespmem:$0x1FF70];
	v13 =	vsel vm12, v0, v13  }
0x119: {  	v20 =	vld.idx.msk [tilespmem:v20+s2+$0x0], $0xffff;
	vm14 =	vgt.f32 v15, v12;
	vm15 =	vgt.f32 v15, v10;
	v13 =	vsel vm13, v11, v13  }
0x11a: {  	v11 =	vsel vm13, v17, v11;
	v17 =	vmin.f32 v15, v10;
	v10 =	vmax.f32 v10, v15;
	v15 =	vld [tilespmem:$0x1FF70]  }
0x11b: {  	v12 =	vmax.f32 v12, v17;
	v17 =	vld [tilespmem:$0x1FF90];
	_ =	sdelay $0x1  }
0x11c: {  	v13 =	vsel vm14, v18, v13  }
0x11d: {  	v13 =	vsel vm15, v11, v13  }
0x11e: {  	v18 =	vld.idx.msk [tilespmem:v19+s2+$0x0], $0xffff;
	vm8 =	vgt.f32 v20, v12;
	v11 =	vsel vm15, v15, v11;
	v15 =	vmin.f32 v20, v10  }
0x11f: {  	vm9 =	vgt.f32 v20, v10;
	v13 =	vsel vm8, v17, v13;
	v0 =	vmax.f32 v12, v15;
	v15 =	vld [tilespmem:$0x1FFA0]  }
0x120: {  	v12 =	vsel vm9, v11, v13;
	v13 =	vld [tilespmem:$0x1FF90];
	_ =	sdelay $0x3  }
0x121: {  	v16 =	vld.idx.msk [tilespmem:v16+s2+$0x0], $0xffff;
	v10 =	vmax.f32 v10, v20;
	vm10 =	vgt.f32 v18, v0  }
0x122: {  	v12 =	vsel vm10, v15, v12;
	v15 =	vld [tilespmem:$0x1FFC0];
	v11 =	vsel vm9, v13, v11;
	v13 =	vmin.f32 v18, v10  }
0x123: {  	vm1 =	vgt.f32 v7, v9;
	v7 =	vmax.f32 v9, v7;
	v9 =	vmax.f32 v0, v13;
	v13 =	vld [tilespmem:$0x1FFA0]  }
0x124: {  	v62 =	vld [tilespmem:$0x1FBD0];
	_ =	sdelay $0x1  }
0x125: {  	v14 =	vsel vm1, v8, v14;
	vm14 =	vge.f32 v45, v4  }
0x126: {  	vm11 =	vgt.f32 v18, v10;
	v10 =	vmax.f32 v10, v18;
	v8 =	vsel vm1, v15, v8;
	v15 =	vld [tilespmem:$0x1FFB0]  }
0x127: {  	v12 =	vsel vm11, v11, v12;
	v11 =	vsel vm11, v13, v11;
	v13 =	vmin.f32 v16, v10  }
0x128: {  	vm15 =	vge.f32 v62, v4;
	vm12 =	vgt.f32 v16, v9;
	v9 =	vmax.f32 v9, v13;
	v13 =	vld [tilespmem:$0x1FFB0]  }
0x129: {  	v17 =	vmax.f32 v62, v4;
	vm8 =	vge.f32 v45, v50;
	v62 =	vlaneseq.u32  }
0x12a: {  	v1 =	vsel vm15, v1, v5;
	vm13 =	vgt.f32 v16, v10;
	v10 =	vmax.f32 v10, v16  }
0x12b: {  	v18 =	vmax.f32 v45, v50;
	vm9 =	vge.f32 v7, v10;
	v12 =	vsel vm12, v15, v12  }
0x12c: {  	v50 =	vmax.f32 v6, v10;
	vm10 =	vge.f32 v6, v10;
	v12 =	vsel vm13, v11, v12  }
0x12d: {  	v11 =	vsel vm13, v13, v11;
	v13 =	vmax.f32 v45, v4;
	v45 =	vor.u32 s12, v62  }
0x12e: {  	v15 =	vsel vm14, v2, v5;
	v2 =	vsel vm8, v2, v3;
	[tilespmem:$0x1FC50] =	vst v45;
	v45 =	vshll.u32 v45, $0x6  }
0x12f: {  	vm11 =	vge.f32 v7, v9;
	v1 =	vsel vm14, v1, v2;
	v2 =	vor.u32 v62, v45  }
0x130: {  	v3 =	vsel vm14, v17, v18;
	v0 =	vsel vm11, v8, v12;
	v4 =	vmax.f32 v7, v10  }
0x131: {  	v7 =	vmax.f32 v7, v9;
	v8 =	vsel vm9, v8, v11;
	v6 =	vor.u32 v23, v45  }
0x132: {  	v5 =	vsel vm9, v50, v7;
	vm12 =	vge.f32 v13, v4;
	v50 =	vmax.f32 v3, v4  }
0x133: {  	v62 =	vsel vm10, v14, v11;
	v10 =	vor.u32 v43, v45;
	v12 =	vmax.f32 v13, v5  }
0x134: {  	v9 =	vmax.f32 v13, v4;
	v7 =	vsel vm9, v62, v0;
	v62 =	vsel vm12, v50, v12;
	v2 =	vld.idx.msk [tilespmem:v2+s2+$0x0], $0xffff  }
0x135: {  	vm13 =	vge.f32 v3, v4;
	vm14 =	vge.f32 v13, v5;
	v3 =	vsub.f32 v62, v9  }
0x136: {  	v1 =	vsel vm13, v1, v8;
	v5 =	vsel vm14, v15, v7;
	v4 =	vld.idx.msk [tilespmem:v6+s2+$0x0], $0xffff;
	v6 =	vor.u32 v58, v45  }
0x137: {  	v9 =	vsel vm12, v15, v8;
	v11 =	vsel vm12, v1, v5;
	v1 =	vmul.f32 $1.442695020e+00, v3  }
0x138: {  	v16 =	vlaneseq.u32;
	v7 =	vor.u32 v33, v45;
	[tilespmem:$0x1FC80] =	vst v11;
	v11 =	vor.u32 v32, v45;
	v5 =	vld.idx.msk [tilespmem:v10+s2+$0x0], $0xffff  }
0x139: {  	(erf) = vpow2.f32 v1;
	vm15 =	vgt.f32 v2, $-3.000000010e+38;
	v50 =	vmin.f32 v2, $-3.000000010e+38  }
0x13a: {  	v2 =	vmax.f32 v2, $-3.000000010e+38;
	v3 =	vmax.f32 v50, $-3.000000010e+38;
	v8 =	vnsel vm15, $0x0, v16  }
0x13b: {  	v6 =	vld.idx.msk [tilespmem:v6+s2+$0x0], $0xffff;
	v62 =	vmin.f32 v4, v2;
	vm9 =	vgt.f32 v4, v2;
	v2 =	vmax.f32 v2, v4  }
0x13c: {  	v50 =	vor.u32 v21, v45;
	vm8 =	vgt.f32 v4, v3;
	v3 =	vmax.f32 v3, v62  }
0x13d: {  	v10 =	vmin.f32 v5, v2;
	vm11 =	vgt.f32 v5, v2;
	v2 =	vmax.f32 v2, v5  }
0x13e: {  	v7 =	vld.idx.msk [tilespmem:v7+s2+$0x0], $0xffff;
	v62 =	vor.u32 v27, v45;
	v0 =	vnsel vm8, $0x0, v23;
	vm10 =	vgt.f32 v5, v3  }
0x13f: {  	[tilespmem:$0x1FC60] =	vst v9;
	v3 =	vmax.f32 v3, v10;
	v9 =	vsel vm9, v8, v0;
	v8 =	vsel vm9, v23, v8  }
0x140: {  	v9 =	vsel vm10, v43, v9;
	vm12 =	vgt.f32 v6, v3;
	vm13 =	vgt.f32 v6, v2  }
0x141: {  	v9 =	vsel vm11, v8, v9;
	v8 =	vsel vm11, v43, v8;
	v43 =	vmin.f32 v6, v2  }
0x142: {  	v4 =	vld.idx.msk [tilespmem:v50+s2+$0x0], $0xffff;
	v2 =	vmax.f32 v2, v6;
	v50 =	vor.u32 v39, v45;
	v3 =	vmax.f32 v3, v43  }
0x143: {  	v9 =	vsel vm12, v58, v9;
	vm15 =	vgt.f32 v7, v2;
	v5 =	vld.idx.msk [tilespmem:v62+s2+$0x0], $0xffff;
	v62 =	vor.u32 v57, v45  }
0x144: {  	v9 =	vsel vm13, v8, v9;
	v8 =	vsel vm13, v58, v8;
	vm14 =	vgt.f32 v7, v3  }
0x145: {  	v58 =	vmin.f32 v7, v2;
	v2 =	vmax.f32 v2, v7;
	v9 =	vsel vm14, v33, v9  }
0x146: {  	v3 =	vmax.f32 v3, v58;
	v9 =	vsel vm15, v8, v9;
	v8 =	vsel vm15, v33, v8  }
0x147: {  	v33 =	vor.u32 v56, v45;
	vm8 =	vgt.f32 v4, v3;
	v0 =	vmin.f32 v4, v2  }
0x148: {  	vm9 =	vgt.f32 v4, v2;
	v6 =	vld.idx.msk [tilespmem:v50+s2+$0x0], $0xffff;
	v2 =	vmax.f32 v2, v4;
	v50 =	vor.u32 v31, v45  }
0x149: {  	v3 =	vmax.f32 v3, v0;
	v9 =	vsel vm8, v21, v9;
	v43 =	vmin.f32 v5, v2  }
0x14a: {  	vm11 =	vgt.f32 v5, v2;
	v7 =	vld.idx.msk [tilespmem:v62+s2+$0x0], $0xffff;
	v9 =	vsel vm9, v8, v9;
	vm10 =	vgt.f32 v5, v3  }
0x14b: {  	v62 =	vor.u32 v38, v45;
	v8 =	vsel vm9, v21, v8;
	v9 =	vsel vm10, v27, v9  }
0x14c: {  	v2 =	vmax.f32 v2, v5;
	v3 =	vmax.f32 v3, v43;
	v9 =	vsel vm11, v8, v9  }
0x14d: {  	v8 =	vsel vm11, v27, v8;
	v4 =	vld.idx.msk [tilespmem:v33+s2+$0x0], $0xffff;
	vm12 =	vgt.f32 v6, v3;
	v58 =	vmin.f32 v6, v2  }
0x14e: {  	vm13 =	vgt.f32 v6, v2;
	v2 =	vmax.f32 v2, v6;
	v5 =	vld.idx.msk [tilespmem:v50+s2+$0x0], $0xffff;
	v50 =	vor.u32 v35, v45  }
0x14f: {  	v3 =	vmax.f32 v3, v58;
	v9 =	vsel vm12, v39, v9;
	v43 =	vmin.f32 v7, v2  }
0x150: {  	vm15 =	vgt.f32 v7, v2;
	v2 =	vmax.f32 v2, v7;
	v6 =	vld.idx.msk [tilespmem:v62+s2+$0x0], $0xffff;
	v62 =	vor.u32 v36, v45  }
0x151: {  	v9 =	vsel vm13, v8, v9;
	v8 =	vsel vm13, v39, v8;
	vm14 =	vgt.f32 v7, v3  }
0x152: {  	v3 =	vmax.f32 v3, v43;
	v43 =	vor.u32 v40, v45;
	v9 =	vsel vm14, v57, v9  }
0x153: {  	v9 =	vsel vm15, v8, v9;
	v8 =	vsel vm15, v57, v8;
	vm8 =	vgt.f32 v4, v3  }
0x154: {  	v58 =	vmovc v57;
	v57 =	vmin.f32 v4, v2;
	vm9 =	vgt.f32 v4, v2;
	v2 =	vmax.f32 v2, v4  }
0x155: {  	v0 =	vld [tilespmem:$0x1FE80];
	v3 =	vmax.f32 v3, v57;
	v9 =	vsel vm8, v56, v9;
	v39 =	vmin.f32 v5, v2  }
0x156: {  	vm11 =	vgt.f32 v5, v2;
	v2 =	vmax.f32 v2, v5;
	v9 =	vsel vm9, v8, v9  }
0x157: {  	v7 =	vld.idx.msk [tilespmem:v50+s2+$0x0], $0xffff;
	v8 =	vsel vm9, v56, v8;
	vm10 =	vgt.f32 v5, v3;
	v3 =	vmax.f32 v3, v39  }
0x158: {  	v12 =	vld [tilespmem:$0x1FF10];
	v50 =	vmin.f32 v6, v2;
	vm13 =	vgt.f32 v6, v2;
	v9 =	vsel vm10, v31, v9  }
0x159: {  	v4 =	vld.idx.msk [tilespmem:v62+s2+$0x0], $0xffff;
	v2 =	vmax.f32 v2, v6;
	vm12 =	vgt.f32 v6, v3;
	v9 =	vsel vm11, v8, v9  }
0x15a: {  	v33 =	vmovc v56;
	v56 =	vor.u32 v0, v45;
	v8 =	vsel vm11, v31, v8;
	v9 =	vsel vm12, v38, v9  }
0x15b: {  	v3 =	vmax.f32 v3, v50;
	v5 =	vld.idx.msk [tilespmem:v43+s2+$0x0], $0xffff;
	v43 =	vor.u32 v49, v45;
	v9 =	vsel vm13, v8, v9  }
0x15c: {  	v8 =	vsel vm13, v38, v8;
	vm14 =	vgt.f32 v7, v3;
	v57 =	vmin.f32 v7, v2  }
0x15d: {  	v62 =	vmovc v38;
	vm15 =	vgt.f32 v7, v2;
	v2 =	vmax.f32 v2, v7;
	v38 =	vor.u32 v12, v45  }
0x15e: {  	v3 =	vmax.f32 v3, v57;
	v9 =	vsel vm14, v35, v9;
	vm8 =	vgt.f32 v4, v2  }
0x15f: {  	v39 =	vmin.f32 v4, v2;
	v2 =	vmax.f32 v2, v4;
	v57 =	vor.u32 v46, v45  }
0x160: {  	v6 =	vld.idx.msk [tilespmem:v56+s2+$0x0], $0xffff;
	v9 =	vsel vm15, v8, v9;
	v8 =	vsel vm15, v35, v8;
	vm9 =	vgt.f32 v4, v3  }
0x161: {  	v3 =	vmax.f32 v3, v39;
	vm10 =	vgt.f32 v5, v2;
	v9 =	vsel vm9, v36, v9  }
0x162: {  	v56 =	vmin.f32 v5, v2;
	vm11 =	vgt.f32 v5, v3;
	v9 =	vsel vm8, v8, v9  }
0x163: {  	v50 =	vsel vm8, v36, v8;
	v5 =	vmax.f32 v2, v5;
	v9 =	vsel vm11, v40, v9;
	v7 =	vld.idx.msk [tilespmem:v38+s2+$0x0], $0xffff  }
0x164: {  	v4 =	vld.idx.msk [tilespmem:v43+s2+$0x0], $0xffff;
	v8 =	vmax.f32 v3, v56;
	v3 =	vsel vm10, v40, v50;
	v9 =	vsel vm10, v50, v9  }
0x165: {  	vm1 =	vgt.f32 v6, v5;
	vm12 =	vgt.f32 v6, v8;
	v2 =	vmin.f32 v6, v5  }
0x166: {  	v39 =	vmax.f32 v5, v6;
	v50 =	vor.u32 v53, v45;
	v9 =	vsel vm12, v0, v9  }
0x167: {  	v8 =	vmax.f32 v8, v2;
	v2 =	vor.u32 v44, v45;
	v9 =	vsel vm1, v3, v9  }
0x168: {  	v43 =	vld.idx.msk [tilespmem:v57+s2+$0x0], $0xffff;
	vm13 =	vgt.f32 v7, $-3.000000010e+38;
	v38 =	vmin.f32 v7, $-3.000000010e+38;
	v7 =	vmax.f32 v7, $-3.000000010e+38  }
0x169: {  	v5 =	vmax.f32 v38, $-3.000000010e+38;
	v56 =	vnsel vm13, $0x0, v12;
	v57 =	vmin.f32 v4, v7  }
0x16a: {  	v11 =	vld.idx.msk [tilespmem:v11+s2+$0x0], $0xffff;
	vm15 =	vgt.f32 v4, v7;
	v38 =	vor.u32 v34, v45;
	vm14 =	vgt.f32 v4, v5  }
0x16b: {  	[tilespmem:$0x1FC40] =	vst v9;
	v5 =	vmax.f32 v5, v57;
	v4 =	vmax.f32 v7, v4;
	v9 =	vsel vm15, v49, v56  }
0x16c: {  	[tilespmem:$0x1FBE0] =	vst v8;
	v7 =	vld.idx.msk [tilespmem:v2+s2+$0x0], $0xffff;
	v57 =	vor.u32 v61, v45;
	v2 =	vor.u32 v37, v45;
	v1 =	vnsel vm14, $0x0, v49  }
0x16d: {  	v8 =	vld.idx.msk [tilespmem:v50+s2+$0x0], $0xffff;
	vm8 =	vgt.f32 v43, v5;
	v12 =	vmin.f32 v43, v4;
	vm9 =	vgt.f32 v43, v4  }
0x16e: {  	v4 =	vmax.f32 v4, v43;
	v43 =	vor.u32 v41, v45;
	v10 =	vsel vm15, v56, v1  }
0x16f: {  	v5 =	vmax.f32 v5, v12;
	v12 =	vmin.f32 v11, v4;
	vm11 =	vgt.f32 v11, v4  }
0x170: {  	v4 =	vmax.f32 v4, v11;
	v56 =	vor.u32 v54, v45;
	v1 =	vor.u32 v60, v45  }
0x171: {  	v10 =	vsel vm8, v46, v10;
	vm10 =	vgt.f32 v11, v5;
	v5 =	vmax.f32 v5, v12  }
0x172: {  	v10 =	vsel vm9, v9, v10;
	v9 =	vsel vm9, v46, v9;
	vm12 =	vgt.f32 v8, v5  }
0x173: {  	v12 =	vmin.f32 v8, v4;
	vm13 =	vgt.f32 v8, v4;
	v4 =	vmax.f32 v4, v8  }
0x174: {  	v6 =	vld.idx.msk [tilespmem:v38+s2+$0x0], $0xffff;
	v38 =	vor.u32 v55, v45;
	v10 =	vsel vm10, v32, v10;
	v5 =	vmax.f32 v5, v12  }
0x175: {  	v12 =	vmin.f32 v7, v4;
	vm15 =	vgt.f32 v7, v4;
	v4 =	vmax.f32 v4, v7  }
0x176: {  	v10 =	vsel vm11, v9, v10;
	v9 =	vsel vm11, v32, v9;
	vm14 =	vgt.f32 v7, v5  }
0x177: {  	v5 =	vmax.f32 v5, v12;
	v11 =	vld.idx.msk [tilespmem:v43+s2+$0x0], $0xffff;
	v32 =	vor.u32 v47, v45;
	v10 =	vsel vm12, v53, v10  }
0x178: {  	v43 =	vor.u32 v48, v45;
	v10 =	vsel vm13, v9, v10;
	v9 =	vsel vm13, v53, v9  }
0x179: {  	v8 =	vld.idx.msk [tilespmem:v56+s2+$0x0], $0xffff;
	v10 =	vsel vm14, v44, v10;
	vm8 =	vgt.f32 v6, v5;
	v12 =	vmin.f32 v6, v4  }
0x17a: {  	vm9 =	vgt.f32 v6, v4;
	v4 =	vmax.f32 v4, v6;
	v10 =	vsel vm15, v9, v10  }
0x17b: {  	v7 =	vld.idx.msk [tilespmem:v57+s2+$0x0], $0xffff;
	v9 =	vsel vm15, v44, v9;
	v5 =	vmax.f32 v5, v12;
	v10 =	vsel vm8, v34, v10  }
0x17c: {  	vm10 =	vgt.f32 v11, v5;
	v12 =	vmin.f32 v11, v4;
	vm11 =	vgt.f32 v11, v4  }
0x17d: {  	v6 =	vld.idx.msk [tilespmem:v1+s2+$0x0], $0xffff;
	v4 =	vmax.f32 v4, v11;
	v10 =	vsel vm9, v9, v10;
	v9 =	vsel vm9, v34, v9  }
0x17e: {  	v5 =	vmax.f32 v5, v12;
	v12 =	vmin.f32 v8, v4;
	vm13 =	vgt.f32 v8, v4  }
0x17f: {  	v1 =	vld [tilespmem:$0x1FED0];
	v4 =	vmax.f32 v4, v8;
	v10 =	vsel vm10, v41, v10;
	vm12 =	vgt.f32 v8, v5  }
0x180: {  	v5 =	vmax.f32 v5, v12;
	v12 =	vmin.f32 v7, v4;
	vm15 =	vgt.f32 v7, v4  }
0x181: {  	v11 =	vld.idx.msk [tilespmem:v2+s2+$0x0], $0xffff;
	v4 =	vmax.f32 v4, v7;
	v10 =	vsel vm11, v9, v10;
	v9 =	vsel vm11, v41, v9  }
0x182: {  	vm14 =	vgt.f32 v7, v5;
	v5 =	vmax.f32 v5, v12;
	v12 =	vmin.f32 v6, v4  }
0x183: {  	v50 =	vmovc v44;
	v44 =	vld [tilespmem:$0x1FE70];
	vm9 =	vgt.f32 v6, v4;
	v4 =	vmax.f32 v4, v6;
	v10 =	vsel vm12, v54, v10  }
0x184: {  	v8 =	vld.idx.msk [tilespmem:v32+s2+$0x0], $0xffff;
	v56 =	vor.u32 v1, v45;
	vm8 =	vgt.f32 v6, v5;
	v10 =	vsel vm13, v9, v10  }
0x185: {  	v5 =	vmax.f32 v5, v12;
	v9 =	vsel vm13, v54, v9;
	v10 =	vsel vm14, v61, v10  }
0x186: {  	v7 =	vld.idx.msk [tilespmem:v38+s2+$0x0], $0xffff;
	vm10 =	vgt.f32 v11, v5;
	v12 =	vmin.f32 v11, v4;
	v10 =	vsel vm15, v9, v10  }
0x187: {  	v13 =	vld.idx.msk [tilespmem:v43+s2+$0x0], $0xffff;
	vm11 =	vgt.f32 v11, v4;
	v9 =	vsel vm15, v61, v9;
	v10 =	vsel vm8, v60, v10  }
0x188: {  	v4 =	vmax.f32 v4, v11;
	v10 =	vsel vm9, v9, v10;
	v9 =	vsel vm9, v60, v9;
	v60 =	vld [tilespmem:$0x1FEE0]  }
0x189: {  	v54 =	vor.u32 v44, v45;
	v5 =	vmax.f32 v5, v12;
	vm12 =	vgt.f32 v8, v4  }
0x18a: {  	vm13 =	vgt.f32 v8, v5;
	v12 =	vmin.f32 v8, v4;
	v4 =	vmax.f32 v4, v8  }
0x18b: {  	v5 =	vmax.f32 v5, v12;
	vm15 =	vgt.f32 v7, v4;
	v12 =	vmin.f32 v7, v4  }
0x18c: {  	v4 =	vmax.f32 v4, v7;
	vm14 =	vgt.f32 v7, v5;
	v5 =	vmax.f32 v5, v12  }
0x18d: {  	v32 =	vld.idx.msk [tilespmem:v56+s2+$0x0], $0xffff;
	v12 =	vor.u32 v29, v45;
	vm9 =	vgt.f32 v13, v4;
	v61 =	vor.u32 v60, v45  }
0x18e: {  	v43 =	vmax.f32 v4, v13;
	v10 =	vsel vm10, v37, v10;
	vm8 =	vgt.f32 v13, v5  }
0x18f: {  	v7 =	vld.idx.msk [tilespmem:v54+s2+$0x0], $0xffff;
	v10 =	vsel vm11, v9, v10;
	v9 =	vsel vm11, v37, v9;
	v37 =	vmin.f32 v13, v4  }
0x190: {  	v10 =	vsel vm13, v47, v10;
	v57 =	vsel vm12, v47, v9;
	v14 =	vmax.f32 v5, v37  }
0x191: {  	v54 =	vld [tilespmem:$0x1FF20];
	v47 =	vor.u32 v30, v45;
	v10 =	vsel vm12, v9, v10;
	v8 =	vsel vm15, v55, v57  }
0x192: {  	vm11 =	vgt.f32 v32, $-3.000000010e+38;
	v13 =	vmin.f32 v32, $-3.000000010e+38;
	v11 =	vmax.f32 v32, $-3.000000010e+38;
	v9 =	vld.idx.msk [tilespmem:v61+s2+$0x0], $0xffff  }
0x193: {  	v10 =	vsel vm14, v55, v10;
	v44 =	vsel vm9, v48, v8;
	v13 =	vmax.f32 v13, $-3.000000010e+38  }
0x194: {  	v12 =	vld.idx.msk [tilespmem:v12+s2+$0x0], $0xffff;
	v10 =	vsel vm15, v57, v10;
	vm10 =	vgt.f32 v7, v14;
	v4 =	vmin.f32 v7, v43  }
0x195: {  	v10 =	vsel vm8, v48, v10;
	v55 =	vmax.f32 v14, v4;
	v14 =	vor.u32 v22, v45  }
0x196: {  	v15 =	vnsel vm11, $0x0, v1;
	v56 =	vor.u32 v54, v45;
	v57 =	vld [tilespmem:$0x1FF80];
	v38 =	vsel vm9, v8, v10  }
0x197: {  	v8 =	vld.idx.msk [tilespmem:v47+s2+$0x0], $0xffff;
	vm12 =	vgt.f32 v9, v13;
	v17 =	vmin.f32 v9, v11;
	vm3 =	vgt.f32 v9, v11  }
0x198: {  	v9 =	vmax.f32 v11, v9;
	v13 =	vmax.f32 v13, v17;
	v17 =	vnsel vm12, $0x0, v60  }
0x199: {  	v18 =	vmin.f32 v12, v9;
	v17 =	vsel vm3, v15, v17;
	v15 =	vsel vm3, v60, v15  }
0x19a: {  	v14 =	vld.idx.msk [tilespmem:v14+s2+$0x0], $0xffff;
	vm13 =	vgt.f32 v12, v13;
	vm3 =	vgt.f32 v12, v9;
	v13 =	vmax.f32 v13, v18  }
0x19b: {  	v9 =	vmax.f32 v9, v12;
	v12 =	vor.u32 v57, v45;
	v60 =	vor.u32 v26, v45  }
0x19c: {  	v17 =	vsel vm13, v29, v17;
	vm14 =	vgt.f32 v8, v13;
	v18 =	vmin.f32 v8, v9  }
0x19d: {  	v11 =	vld.idx.msk [tilespmem:v56+s2+$0x0], $0xffff;
	v17 =	vsel vm3, v15, v17;
	v15 =	vsel vm3, v29, v15;
	vm3 =	vgt.f32 v8, v9  }
0x19e: {  	v4 =	vld [tilespmem:$0x1FF20];
	v13 =	vmax.f32 v13, v18;
	v8 =	vmax.f32 v9, v8;
	v17 =	vsel vm14, v30, v17  }
0x19f: {  	v61 =	vld [tilespmem:$0x1FF20];
	vm15 =	vgt.f32 v14, v13;
	v18 =	vmin.f32 v14, v8;
	v17 =	vsel vm3, v15, v17  }
0x1a0: {  	v15 =	vsel vm3, v30, v15;
	vm3 =	vgt.f32 v14, v8;
	v13 =	vmax.f32 v13, v18;
	v12 =	vld.idx.msk [tilespmem:v12+s2+$0x0], $0xffff  }
0x1a1: {  	v6 =	vld [tilespmem:$0x1FF80];
	v8 =	vmax.f32 v8, v14;
	v14 =	vor.u32 v25, v45;
	v17 =	vsel vm15, v22, v17  }
0x1a2: {  	vm8 =	vgt.f32 v11, v13;
	v18 =	vmin.f32 v11, v8;
	v17 =	vsel vm3, v15, v17  }
0x1a3: {  	v32 =	vld [tilespmem:$0x1FF80];
	v15 =	vsel vm3, v22, v15;
	vm3 =	vgt.f32 v11, v8;
	v13 =	vmax.f32 v13, v18  }
0x1a4: {  	v57 =	vld [tilespmem:$0x1FDE0];
	v8 =	vmax.f32 v8, v11;
	v17 =	vsel vm8, v61, v17;
	v5 =	vsel vm3, v4, v15  }
0x1a5: {  	v9 =	vld.idx.msk [tilespmem:v60+s2+$0x0], $0xffff;
	v17 =	vsel vm3, v15, v17;
	vm9 =	vgt.f32 v12, v13;
	v15 =	vmin.f32 v12, v8  }
0x1a6: {  	v13 =	vmax.f32 v13, v15;
	v15 =	vsel vm9, v6, v17;
	v6 =	vld [tilespmem:$0x1FDC0]  }
0x1a7: {  	v18 =	vor.u32 v28, v45;
	vm3 =	vgt.f32 v12, v8  }
0x1a8: {  	v21 =	vor.u32 v52, v45;
	v11 =	vsel vm3, v32, v5;
	v15 =	vsel vm3, v5, v15;
	v5 =	vld [tilespmem:$0x1FDD0]  }
0x1a9: {  	v0 =	vsel vm1, v0, v3;
	vm1 =	vgt.f32 v7, v43;
	v48 =	vimm.s32 $0x0;
	v14 =	vld.idx.msk [tilespmem:v14+s2+$0x0], $0xffff  }
0x1aa: {  	[tilespmem:$0x1FC70] =	vst v0;
	v54 =	vld [tilespmem:$0x1FFC0];
	v0 =	vsel vm10, $0xFFFFFFFF, v48;
	v19 =	vor.u32 v57, v45;
	v8 =	vmax.f32 v8, v12  }
0x1ab: {  	v4 =	vmax.f32 v43, v7;
	v43 =	vld [tilespmem:$0x1FDF0];
	v12 =	vmin.f32 v9, v8;
	v17 =	vor.u32 v6, v45  }
0x1ac: {  	v37 =	vld.idx.msk [tilespmem:v18+s2+$0x0], $0xffff;
	vm10 =	vgt.f32 v9, v13;
	vm3 =	vgt.f32 v9, v8;
	v12 =	vmax.f32 v13, v12  }
0x1ad: {  	v47 =	vld [tilespmem:$0x1FE00];
	v8 =	vmax.f32 v8, v9;
	v13 =	vsel vm10, v26, v15;
	v15 =	vor.u32 v5, v45  }
0x1ae: {  	[tilespmem:$0x1FC00] =	vst v38;
	v13 =	vsel vm3, v11, v13;
	v11 =	vsel vm3, v26, v11;
	vm3 =	vgt.f32 v14, v12  }
0x1af: {  	v48 =	vld.idx.msk [tilespmem:v19+s2+$0x0], $0xffff;
	vm11 =	vgt.f32 v14, v8;
	v18 =	vmin.f32 v14, v8;
	v13 =	vsel vm3, v25, v13  }
0x1b0: {  	v19 =	vor.u32 v54, v45;
	v38 =	vmax.f32 v12, v18;
	v12 =	vsel vm11, v11, v13;
	v13 =	vld.idx.msk [tilespmem:v17+s2+$0x0], $0xffff  }
0x1b1: {  	[tilespmem:$0x1FC10] =	vst v44;
	v60 =	vld [tilespmem:$0x1FE10];
	v8 =	vmax.f32 v8, v14;
	v14 =	vor.u32 v43, v45;
	vm3 =	vgt.f32 v37, v38  }
0x1b2: {  	v44 =	vsel vm3, v28, v12;
	v12 =	vor.u32 v47, v45;
	v17 =	vmin.f32 v37, v8;
	v15 =	vld.idx.msk [tilespmem:v15+s2+$0x0], $0xffff  }
0x1b3: {  	v11 =	vsel vm11, v25, v11;
	vm12 =	vgt.f32 v37, v8;
	v17 =	vmax.f32 v38, v17;
	v38 =	vld [tilespmem:$0x1FF40]  }
0x1b4: {  	v32 =	vimm.s32 $0x0;
	v10 =	vsel vm12, v28, v11;
	v8 =	vmax.f32 v8, v37  }
0x1b5: {  	v7 =	vld [tilespmem:$0x1FF30];
	v18 =	vsel vm12, v11, v44;
	vm6 =	vgt.f32 v13, v8;
	vm13 =	vgt.f32 v13, v17  }
0x1b6: {  	v56 =	vmin.f32 v13, v8;
	v8 =	vmax.f32 v8, v13;
	v13 =	vld.idx.msk [tilespmem:v14+s2+$0x0], $0xffff;
	v14 =	vor.u32 v60, v45  }
0x1b7: {  	v20 =	vld.idx.msk [tilespmem:v12+s2+$0x0], $0xffff;
	v17 =	vmax.f32 v17, v56;
	v11 =	vsel vm13, v6, v18;
	vm7 =	vgt.f32 v15, v8  }
0x1b8: {  	v12 =	vld.idx.msk [tilespmem:v19+s2+$0x0], $0xffff;
	v18 =	vmin.f32 v15, v8;
	v8 =	vmax.f32 v8, v15;
	v19 =	vor.u32 v38, v45  }
0x1b9: {  	vm12 =	vgt.f32 v15, v17;
	v15 =	vmax.f32 v17, v18;
	vm5 =	vgt.f32 v48, v8  }
0x1ba: {  	v17 =	vmin.f32 v48, v8;
	v8 =	vmax.f32 v8, v48;
	vm10 =	vgt.f32 v48, v15  }
0x1bb: {  	v61 =	vmax.f32 v15, v17;
	v17 =	vor.u32 v7, v45;
	v15 =	vmin.f32 v13, v8  }
0x1bc: {  	v14 =	vld.idx.msk [tilespmem:v14+s2+$0x0], $0xffff;
	vm2 =	vgt.f32 v13, v8;
	v8 =	vmax.f32 v8, v13;
	vm4 =	vgt.f32 v13, v61  }
0x1bd: {  	v18 =	vld.idx.msk [tilespmem:v21+s2+$0x0], $0xffff;
	v15 =	vmax.f32 v61, v15;
	vm9 =	vgt.f32 v20, v8;
	v37 =	vmin.f32 v20, v8  }
0x1be: {  	v8 =	vmax.f32 v8, v20;
	vm14 =	vgt.f32 v20, v15;
	v13 =	vmax.f32 v15, v37  }
0x1bf: {  	vm11 =	vgt.f32 v12, v8;
	v43 =	vmin.f32 v12, v8;
	v20 =	vor.u32 v42, v45  }
0x1c0: {  	v47 =	vld [tilespmem:$0x1FF30];
	v1 =	vsel vm14, $0xFFFFFFFF, v32;
	v9 =	vmax.f32 v13, v43;
	v32 =	vmax.f32 v8, v12  }
0x1c1: {  	v17 =	vld.idx.msk [tilespmem:v17+s2+$0x0], $0xffff;
	v15 =	vmin.f32 v14, $-3.000000010e+38;
	vm15 =	vgt.f32 v14, $-3.000000010e+38;
	v14 =	vmax.f32 v14, $-3.000000010e+38  }
0x1c2: {  	v44 =	vld [tilespmem:$0x1FF30];
	v15 =	vmax.f32 v15, $-3.000000010e+38;
	v21 =	vnsel vm15, $0x0, v60;
	vm13 =	vgt.f32 v18, v14  }
0x1c3: {  	v22 =	vmin.f32 v18, v14;
	v14 =	vmax.f32 v14, v18;
	vm8 =	vgt.f32 v18, v15  }
0x1c4: {  	v19 =	vld.idx.msk [tilespmem:v19+s2+$0x0], $0xffff;
	vm15 =	vge.f32 v39, v4;
	v15 =	vmax.f32 v15, v22;
	v23 =	vnsel vm8, $0x0, v52  }
0x1c5: {  	v48 =	vld [tilespmem:$0x1FF40];
	v18 =	vsel vm13, v52, v21;
	v22 =	vsel vm13, v21, v23;
	v23 =	vor.u32 v24, v45  }
0x1c6: {  	v20 =	vld.idx.msk [tilespmem:v20+s2+$0x0], $0xffff;
	vm0 =	vgt.f32 v17, v15;
	vm8 =	vgt.f32 v17, v14;
	v21 =	vmin.f32 v17, v14  }
0x1c7: {  	v54 =	vld [tilespmem:$0x1FF40];
	v14 =	vmax.f32 v14, v17;
	v17 =	vsel vm8, v47, v18;
	v22 =	vsel vm0, v44, v22  }
0x1c8: {  	v15 =	vmax.f32 v15, v21;
	v21 =	vsel vm8, v18, v22;
	v22 =	vor.u32 v63, v45  }
0x1c9: {  	v8 =	vld [tilespmem:$0x1FF90];
	vm0 =	vgt.f32 v19, v15;
	vm8 =	vgt.f32 v19, v14;
	v18 =	vmin.f32 v19, v14  }
0x1ca: {  	v14 =	vmax.f32 v14, v19;
	v21 =	vsel vm0, v48, v21;
	v15 =	vmax.f32 v15, v18;
	v23 =	vld.idx.msk [tilespmem:v23+s2+$0x0], $0xffff  }
0x1cb: {  	v16 =	vld [tilespmem:$0x1FD50];
	v19 =	vor.u32 v59, v45;
	v18 =	vsel vm8, v17, v21;
	vm0 =	vgt.f32 v20, v15  }
0x1cc: {  	v60 =	vld [tilespmem:$0x1FF50];
	v17 =	vsel vm8, v54, v17;
	vm8 =	vgt.f32 v20, v14;
	v18 =	vsel vm0, v42, v18  }
0x1cd: {  	v21 =	vmin.f32 v20, v14;
	v18 =	vsel vm8, v17, v18;
	v17 =	vsel vm8, v42, v17;
	v42 =	vld [tilespmem:$0x1FFA0]  }
0x1ce: {  	v14 =	vmax.f32 v14, v20;
	v15 =	vmax.f32 v15, v21;
	v21 =	vor.u32 v51, v45;
	v22 =	vld.idx.msk [tilespmem:v22+s2+$0x0], $0xffff  }
0x1cf: {  	v61 =	vld [tilespmem:$0x1FF60];
	v37 =	vor.u32 v8, v45;
	vm0 =	vgt.f32 v23, v14;
	vm8 =	vgt.f32 v23, v15  }
0x1d0: {  	v7 =	vld [tilespmem:$0x1FF70];
	v20 =	vmin.f32 v23, v14;
	v14 =	vmax.f32 v14, v23;
	v23 =	vor.u32 v16, v45  }
0x1d1: {  	v19 =	vld.idx.msk [tilespmem:v19+s2+$0x0], $0xffff;
	v18 =	vsel vm8, v24, v18;
	v15 =	vmax.f32 v15, v20;
	v56 =	vsel vm0, v24, v17  }
0x1d2: {  	v43 =	vld [tilespmem:$0x1FFB0];
	v24 =	vor.u32 v42, v45;
	v18 =	vsel vm0, v17, v18;
	v17 =	vor.u32 v60, v45  }
0x1d3: {  	v21 =	vld.idx.msk [tilespmem:v21+s2+$0x0], $0xffff;
	vm0 =	vgt.f32 v22, v14;
	vm8 =	vgt.f32 v22, v15;
	v20 =	vmin.f32 v22, v14  }
0x1d4: {  	v14 =	vmax.f32 v14, v22;
	v15 =	vmax.f32 v15, v20;
	v20 =	vor.u32 v61, v45  }
0x1d5: {  	[tilespmem:$0x1FBF0] =	vst v0;
	v22 =	vor.u32 v7, v45;
	v18 =	vsel vm8, v63, v18;
	v0 =	vsel vm0, v63, v56  }
0x1d6: {  	[tilespmem:$0x1FC20] =	vst v1;
	v7 =	vld [tilespmem:$0x1FBE0];
	v38 =	vmin.f32 v19, v14;
	v18 =	vsel vm0, v56, v18;
	vm0 =	vgt.f32 v19, v14  }
0x1d7: {  	vm8 =	vgt.f32 v19, v15;
	v1 =	vmax.f32 v15, v38;
	v14 =	vmax.f32 v14, v19;
	v17 =	vld.idx.msk [tilespmem:v17+s2+$0x0], $0xffff  }
0x1d8: {  	v15 =	vsel vm8, v59, v18;
	v18 =	vld.idx.msk [tilespmem:v23+s2+$0x0], $0xffff;
	v23 =	vor.u32 v43, v45;
	vm8 =	vgt.f32 v21, v1  }
0x1d9: {  	v15 =	vsel vm0, v0, v15;
	v0 =	vsel vm0, v59, v0;
	vm0 =	vgt.f32 v21, v14;
	v19 =	vld.idx.msk [tilespmem:v20+s2+$0x0], $0xffff  }
0x1da: {  	v22 =	vld.idx.msk [tilespmem:v22+s2+$0x0], $0xffff;
	v15 =	vsel vm8, v51, v15;
	v3 =	vsel vm0, v51, v0;
	v20 =	vmin.f32 v21, v14  }
0x1db: {  	v14 =	vmax.f32 v14, v21;
	v43 =	vsel vm0, v0, v15;
	v2 =	vmax.f32 v1, v20;
	v20 =	vld.idx.msk [tilespmem:v37+s2+$0x0], $0xffff  }
0x1dc: {  	v24 =	vld.idx.msk [tilespmem:v24+s2+$0x0], $0xffff;
	v37 =	vmax.f32 v39, v4;
	v21 =	vmin.f32 v17, v14;
	v45 =	vmax.f32 v14, v17  }
0x1dd: {  	v23 =	vld.idx.msk [tilespmem:v23+s2+$0x0], $0xffff;
	v21 =	vmax.f32 v2, v21;
	v44 =	vmin.f32 v18, v45;
	v63 =	vmax.f32 v45, v18  }
0x1de: {  	v60 =	vmovc v33;
	v59 =	vmax.f32 v21, v44;
	v25 =	vmin.f32 v19, v63;
	v26 =	vmax.f32 v63, v19  }
0x1df: {  	v56 =	vmovc v27;
	v25 =	vmax.f32 v59, v25;
	v27 =	vmin.f32 v22, v26;
	v28 =	vmax.f32 v26, v22  }
0x1e0: {  	v15 =	vmovc v29;
	v27 =	vmax.f32 v25, v27;
	v29 =	vmin.f32 v20, v28;
	v30 =	vmax.f32 v28, v20  }
0x1e1: {  	v61 =	vmovc v31;
	v29 =	vmax.f32 v27, v29;
	v31 =	vmin.f32 v24, v30;
	v33 =	vmax.f32 v30, v24  }
0x1e2: {  	v54 =	vmovc v39;
	v1 =	vmax.f32 v7, v4;
	v31 =	vmax.f32 v29, v31;
	v47 =	vmin.f32 v23, v33  }
0x1e3: {  	v42 =	vmovc v34;
	v39 =	vmax.f32 v39, v55;
	v34 =	vmax.f32 v33, v23;
	v51 =	vmax.f32 v31, v47  }
0x1e4: {  	vm14 =	vge.f32 v32, v34;
	v8 =	vmax.f32 v9, v34;
	v48 =	vmax.f32 v32, v51  }
0x1e5: {  	v38 =	vsel vm15, v1, v39;
	v44 =	vmovc v46;
	v39 =	vmax.f32 v32, v34;
	v46 =	vsel vm14, v8, v48  }
0x1e6: {  	vm13 =	vge.f32 v37, v39;
	v0 =	vmax.f32 v38, v39;
	v1 =	vmax.f32 v37, v46  }
0x1e7: {  	vm8 =	vgt.f32 v12, v13;
	v8 =	vmax.f32 v37, v39;
	v13 =	vsel vm13, v0, v1  }
0x1e8: {  	v47 =	vld [tilespmem:$0x1FC00];
	v13 =	vsub.f32 v13, v8  }
0x1e9: {  	v8 =	vld [tilespmem:$0x1FBF0]  }
0x1ea: {  	v11 =	vsel vm6, v10, v11;
	v48 =	vmul.f32 $1.442695020e+00, v13;
	v13 =	vld [tilespmem:$0x1FE70]  }
0x1eb: {  	v10 =	vsel vm6, v6, v10;
	v11 =	vsel vm12, v5, v11  }
0x1ec: {  	v11 =	vsel vm7, v10, v11;
	v12 =	vpop (erf);
	vm6 =	vgt.f32 v17, v14;
	v14 =	vld [tilespmem:$0x1FF10]  }
0x1ed: {  	v11 =	vsel vm10, v57, v11;
	v12 =	vadd.f32 $1.000000000e+00, v12;
	vm10 =	vgt.f32 v19, v63;
	v63 =	vld [tilespmem:$0x1FEF0]  }
0x1ee: {  	vm3 =	vgt.f32 v19, v59;
	v59 =	vld [tilespmem:$0x1FE30];
	vm0 =	vnez.u8 v8  }
0x1ef: {  	(erf) = vrcp.f32 v12;
	v6 =	vsel vm0, v13, v47;
	v47 =	vld [tilespmem:$0x1FC10]  }
0x1f0: {  	v10 =	vsel vm7, v5, v10;
	(erf) = vpow2.f32 v48;
	v48 =	vmovc v57;
	vm0 =	vgt.f32 v18, v45;
	v45 =	vld [tilespmem:$0x1FF50]  }
0x1f1: {  	v1 =	vsel vm5, v10, v11;
	v10 =	vsel vm5, v48, v10;
	v48 =	vld [tilespmem:$0x1FDF0]  }
0x1f2: {  	v8 =	vld [tilespmem:$0x1FE00]  }
0x1f3: {  	vm5 =	vgt.f32 v20, v28;
	v28 =	vld [tilespmem:$0x1FFF0]  }
0x1f4: {  	vm12 =	vgt.f32 v17, v2;
	vm7 =	vgt.f32 v18, v21;
	v18 =	vmovc v50;
	v50 =	vld [tilespmem:$0x1FFB0];
	v6 =	vsel vm1, v47, v6  }
0x1f5: {  	v5 =	vsel vm1, v13, v47;
	vm1 =	vgt.f32 v22, v26;
	v26 =	vld [tilespmem:$0x1FFE0];
	v57 =	vsel vm12, v45, v43  }
0x1f6: {  	v1 =	vsel vm4, v48, v1;
	v43 =	vld [tilespmem:$0x1FC20];
	v45 =	vsel vm6, v45, v3;
	v11 =	vsel vm6, v3, v57  }
0x1f7: {  	v1 =	vsel vm2, v10, v1;
	v10 =	vsel vm2, v48, v10;
	v48 =	vld [tilespmem:$0x1FF60];
	v11 =	vsel vm7, v16, v11  }
0x1f8: {  	v0 =	vsel vm0, v16, v45;
	v11 =	vsel vm0, v45, v11;
	vm0 =	vgt.f32 v23, v33;
	v33 =	vld [tilespmem:$0x1FC30]  }
0x1f9: {  	vm4 =	vgt.f32 v22, v25;
	v25 =	vld [tilespmem:$0x1FFD0]  }
0x1fa: {  	vm12 =	vgt.f32 v20, v27;
	v20 =	vmov v15;
	v15 =	vld [tilespmem:$0x1FF20]  }
0x1fb: {  	v16 =	vld [tilespmem:$0x1FF70];
	vm2 =	vnez.u8 v43  }
0x1fc: {  	v12 =	vpop (erf);
	v1 =	vsel vm2, v8, v1;
	v11 =	vsel vm3, v48, v11;
	vm3 =	vge.f32 v7, v4;
	v4 =	vld [tilespmem:$0x1FF60]  }
0x1fd: {  	v22 =	vld [tilespmem:$0x1FE50];
	vm2 =	vgt.f32 v24, v30;
	v30 =	vmov v60;
	v60 =	vpop (erf);
	v7 =	vshll.u32 v33, $0x3  }
0x1fe: {  	v47 =	vld [tilespmem:$0x1FF90];
	vm7 =	vgt.f32 v23, v31;
	v8 =	vsel vm9, v8, v10;
	v2 =	vadd.f32 $1.000000000e+00, v60  }
0x1ff: {  	v31 =	vmovc v61;
	v45 =	vld [tilespmem:$0x1FFA0];
	v61 =	vsel vm10, v0, v11;
	v1 =	vsel vm9, v10, v1;
	vm9 =	vge.f32 v37, v46  }
0x200: {  	v54 =	vmovc v54;
	v48 =	vld [tilespmem:$0x1FC40];
	v46 =	vsub.f32 $1.000000000e+00, v12;
	v11 =	vsel vm4, v16, v61;
	(erf) = vrcp.f32 v2  }
0x201: {  	v0 =	vsel vm10, v4, v0;
	vm10 =	vge.f32 v54, v55;
	v4 =	vor.u32 $0x1, v7;
	v55 =	vld [tilespmem:$0x1FC50]  }
0x202: {  	vm4 =	vge.f32 v9, v34;
	v34 =	vmov v42;
	v42 =	vsel vm1, v0, v11;
	[tilespmem:v7+s8+$0x0] =	vst.idx.msk $0xffff, v12;
	v12 =	vld [tilespmem:$0x1FFA0]  }
0x203: {  	v0 =	vsel vm1, v16, v0;
	v2 =	vsel vm12, v47, v42;
	vm12 =	vge.f32 v38, v39;
	v39 =	vld [tilespmem:$0x1FC70]  }
0x204: {  	vm6 =	vgt.f32 v24, v29;
	v2 =	vsel vm5, v0, v2;
	v0 =	vsel vm5, v47, v0;
	v47 =	vld [tilespmem:$0x1FFC0]  }
0x205: {  	v37 =	vld [tilespmem:$0x1FC60];
	v2 =	vsel vm6, v45, v2  }
0x206: {  	v54 =	vsel vm3, v48, v5;
	v2 =	vsel vm2, v0, v2;
	[tilespmem:v4+s8+$0x0] =	vst.idx.msk $0xffff, v46;
	v46 =	vld [tilespmem:$0x1FFC0]  }
0x207: {  	v27 =	vmovc v56;
	v57 =	vmovc v58;
	v58 =	vld [tilespmem:$0x1FE60];
	vm1 =	vge.f32 v32, v51;
	v56 =	vshll.u32 v55, $0x3;
	v2 =	vsel vm7, v50, v2  }
0x208: {  	v23 =	vld [tilespmem:$0x1FE40];
	v45 =	vor.u32 $0x1, v56;
	v0 =	vsel vm2, v12, v0;
	v6 =	vsel vm10, v39, v6  }
0x209: {  	v1 =	vsel vm8, v47, v1;
	v2 =	vsel vm0, v0, v2;
	v0 =	vsel vm0, v50, v0;
	v50 =	vld [tilespmem:$0x1FC80]  }
0x20a: {  	s11 =	sadd.s32 $0x2, s11;
	v43 =	vld [tilespmem:$0x1FE20];
	v3 =	vsel vm15, v39, v5;
	v48 =	vpop (erf);
	v6 =	vsel vm15, v54, v6;
	v1 =	vsel vm11, v8, v1  }
0x20b: {  	p0 =	slt.u32 s11, $0x3E;
	v60 =	vld [tilespmem:$0x1FEC0];
	[tilespmem:v7+s9+$0x0] =	vst.idx.msk $0xffff, v37;
	v54 =	vsub.f32 $1.000000000e+00, v48;
	v47 =	vsel vm11, v46, v8;
	v1 =	vsel vm4, v1, v0  }
.Ltmp0:
0x20c: {  	v61 =	vld [tilespmem:$0x1FEE0];
	[tilespmem:v56+s8+$0x0] =	vst.idx.msk $0xffff, v48;
	v2 =	vsel vm1, v47, v2;
	v0 =	vsel vm14, v47, v0;
	(pc) =	sbr.rel @p0 .LBB2_2-.Ltmp0, $4  }
0x20d: {  	v51 =	vld [tilespmem:$0x1FF80];
	[tilespmem:v45+s8+$0x0] =	vst.idx.msk $0xffff, v54;
	v1 =	vsel vm14, v1, v2;
	v55 =	vsel vm12, v6, v0  }
0x20e: {  	v32 =	vld [tilespmem:$0x1FE90];
	v0 =	vsel vm13, v3, v0;
	[tilespmem:v4+s9+$0x0] =	vst.idx.msk $0xffff, v50;
	v1 =	vsel vm9, v3, v1  }
0x20f: {  	v38 =	vld [tilespmem:$0x1FE80];
	[tilespmem:v56+s9+$0x0] =	vst.idx.msk $0xffff, v0;
	v56 =	vsel vm13, v55, v1  }
0x210: {  	s12 =	sadd.s32 $0x20, s12;
	v42 =	vld [tilespmem:$0x1FED0];
	vm4 =	vcmask $0x1F10;
	[tilespmem:v45+s9+$0x0] =	vst.idx.msk $0xffff, v56  }
0x211: {  	[hbm4b:s4+s2] =	stream.linear.scatter [tilespmem:s8], [sflag:$0x1], $0x2000, $0x38;
	[tilespmem:$0x14000] =	vst v63  }
0x212: {  	s10 =	sadd.s32 $0x1, s10;
	_ =	swait.ge [sflag:s7], $0x2000  }
0x213: {  	p0 =	sne.s32 s10, s6;
	[sflag:s7] =	ssyncset.done $0x0  }
.Ltmp1:
0x214: {  	[sflag:s7] =	ssyncadd.s32 $0xFFFFE000;
	(pc) =	sbr.rel @p0 .LBB2_1-.Ltmp1, $4  }
0x215: {  	[hbm4b:s5+s2] =	stream.linear.scatter [tilespmem:s9], [sflag:$0x1], $0x2000, $0x38;
	[tilespmem:$0x14000] =	vst v63  }
0x216: {  	_ =	swait.ge [sflag:s7], $0x2000  }
0x217: {  	[sflag:s7] =	ssyncset.done $0x0  }
0x218: {  	[sflag:s7] =	ssyncadd.s32 $0xFFFFE000  }
0x219: {  	_ =	sfence.sel $0x180000  }
0x21a: {  	[bflag:$0x0] =	sbarrier.arrive $0xFFFF  }
0x21b: {  	p0 =	sne.s32 s1, $0x0;
	_ =	strace $0x90000047  }
0x21c: {  	s0 =	sadd.s32 @!p0 $0x100000, s0;
	[bflag:$0x2] =	sbarrier.arrive $0xFFFF  }
0x21d: {  	[sflag:s0] =	ssyncadd.tile.s32 @!p0 $0x1;
	_ =	shalt  }
.Lfunc_end2:
_tile_overlayer_lowered:
.L_overlay_start_2:
0x21e: {  	(tag) =	ssettag $0x2  }
0x21f: {  	s0 =	rddreg [dreg:$0x0];
	s2 =	stileid.u32  }
0x220: {  	s1 =	rddreg [dreg:$0x1];
	p0 =	sne.s32 s2, $0x0  }
0x221: {  	s3 =	rddreg [dreg:$0x2];
	[bflag:$0x3] =	sbarrier.arrive $0xFFFF;
	s2 =	simm.s32 @!p0 $0x1C01  }
0x222: {  	[timem:s3], [sflag:s2] =	dma.local @!p0 [hbm:s0], s1  }
0x223: {  	s0 =	simm.s32 @!p0 $0x1  }
0x224: {  	_ =	swait.ge @!p0 [sflag:s0], s1  }
0x225: {  	s1 =	ssub.s32 @!p0 $0x0, s1;
	[sflag:s0] =	ssyncset.done @!p0 $0x0  }
0x226: {  	[sflag:s0] =	ssyncadd.s32 @!p0 s1  }
0x227: {  	[bflag:$0x3] =	sbarrier.arrive $0xFFFF  }
0x228: {  	_ =	shalt  }

</sc_bundles>
